<compile_context>
chip_gen: v7x
topology: tpu7x:2x2x1
jax: 0.10.2.dev20260603
libtpu: 0.0.44.dev20260713+nightly
codegen_flags: <defaults>
</compile_context>

<pallas_src>
import functools

import jax
import jax.numpy as jnp
from jax import lax
from jax.experimental import pallas as pl
from jax.experimental.pallas import tpu as pltpu
from jax.experimental.pallas import tpu_sc as plsc

_NUM_CODES = 1024
_CODE_DIM = 64
_COMMIT = 0.25


def _vq_tc_body(z_ref, cb_ref, codes_ref, loss_ref, cbt_ref):
    b = pl.program_id(0)
    nb = pl.num_programs(0)
    z_b = z_ref[0]
    cb = cb_ref[...]

    m = jax.lax.dot_general(cb, z_b, (((1,), (0,)), ((), ())),
                            preferred_element_type=jnp.float32)
    x2 = jnp.sum(z_b * z_b, axis=0, keepdims=True)
    e2 = jnp.sum(cb * cb, axis=1, keepdims=True)
    dist = (x2 + e2) - 2.0 * m

    minval = jnp.min(dist, axis=0, keepdims=True)
    iota_c = jax.lax.broadcasted_iota(jnp.int32, dist.shape, 0)
    masked = jnp.where(dist == minval, iota_c, _NUM_CODES)
    codes = jnp.min(masked, axis=0, keepdims=True)
    codes_ref[0] = codes

    partial = jnp.sum(minval)
    prev = jnp.where(b == 0, 0.0, loss_ref[0, 0])
    acc = prev + partial
    scale = _COMMIT / (nb * _CODE_DIM * z_b.shape[1])
    loss_ref[0, 0] = jnp.where(b == nb - 1, acc * scale, acc)

    @pl.when(b == 0)
    def _():
        iota_r = jax.lax.broadcasted_iota(jnp.int32, (_CODE_DIM, _CODE_DIM), 0)
        iota_cc = jax.lax.broadcasted_iota(jnp.int32, (_CODE_DIM, _CODE_DIM), 1)
        eye = (iota_r == iota_cc).astype(jnp.float32)
        cbt_ref[...] = jax.lax.dot_general(
            eye, cb, (((1,), (1,)), ((), ())),
            precision=jax.lax.Precision.HIGHEST,
            preferred_element_type=jnp.float32)


def _tc_call(z, codebook):
    B, C, T = z.shape
    return pl.pallas_call(
        _vq_tc_body,
        grid=(B,),
        in_specs=[
            pl.BlockSpec((1, C, T), lambda b: (b, 0, 0)),
            pl.BlockSpec((_NUM_CODES, C), lambda b: (0, 0)),
        ],
        out_specs=[
            pl.BlockSpec((1, 1, T), lambda b: (b, 0, 0)),
            pl.BlockSpec((1, 1), lambda b: (0, 0), memory_space=pltpu.SMEM),
            pl.BlockSpec((C, _NUM_CODES), lambda b: (0, 0)),
        ],
        out_shape=[
            jax.ShapeDtypeStruct((B, 1, T), jnp.int32),
            jax.ShapeDtypeStruct((1, 1), jnp.float32),
            jax.ShapeDtypeStruct((C, _NUM_CODES), jnp.float32),
        ],
        compiler_params=pltpu.CompilerParams(
            dimension_semantics=("arbitrary",)),
    )(z, codebook)


def _make_sc_gather(B, C, T):
    info = plsc.get_sparse_core_info()
    NC, NS = info.num_cores, info.num_subcores
    NW = NC * NS
    CPW = C // NW
    mesh = plsc.VectorSubcoreMesh(core_axis_name="c", subcore_axis_name="s")

    @functools.partial(
        pl.kernel, mesh=mesh,
        out_type=jax.ShapeDtypeStruct((B * C * T,), jnp.float32),
        scratch_types=[
            pltpu.VMEM((CPW * _NUM_CODES,), jnp.float32),
            pltpu.VMEM((B * T,), jnp.int32),
            pltpu.VMEM((CPW * T,), jnp.float32),
        ],
        compiler_params=pltpu.CompilerParams(needs_layout_passes=False),
    )
    def sc_gather(cbt_hbm, codes_hbm, out_hbm, cbt_v, idx_v, out_v):
        wid = lax.axis_index("s") * NC + lax.axis_index("c")
        c0 = wid * CPW
        pltpu.sync_copy(cbt_hbm.at[pl.ds(c0 * _NUM_CODES, CPW * _NUM_CODES)],
                        cbt_v)
        pltpu.sync_copy(codes_hbm, idx_v)

        def body(b, carry):
            for ci in range(CPW):
                for i in range(T // 16):
                    idx = idx_v[pl.ds(b * T + i * 16, 16)]
                    vals = plsc.load_gather(cbt_v, [idx + (ci * _NUM_CODES)])
                    out_v[pl.ds(ci * T + i * 16, 16)] = vals
            pltpu.sync_copy(out_v,
                            out_hbm.at[pl.ds((b * C + c0) * T, CPW * T)])
            return carry

        lax.fori_loop(0, B, body, 0)

    return sc_gather


def kernel(z, codebook):
    B, C, T = z.shape
    codes3, loss, cbt = _tc_call(z, codebook)
    codes = codes3.reshape(B, T)
    zq_flat = _make_sc_gather(B, C, T)(cbt.reshape(-1), codes.reshape(-1))
    return zq_flat.reshape(B, C, T), codes, loss[0, 0]

# --- scband reference (transcript-rebuilt; emitter-appended) ---
"""Pipeline reference for scband-vector-quantizer-ema-19104014532926 (READ-ONLY COPY).

The authoritative reference and input builder live on the scoring server;
editing this copy changes nothing except your own understanding.
"""

import jax, jax.numpy as jnp
import numpy as np

NUM_CODES = 1024
CODE_DIM = 64
COMMITMENT_COST = 0.25


def setup_inputs(seed: int = 0) -> dict:
    key = jax.random.key(seed)
    k1, k2 = jax.random.split(key)
    z = jax.random.normal(k1, (16, CODE_DIM, 1024), dtype=jnp.float32)
    codebook = jax.random.normal(k2, (NUM_CODES, CODE_DIM), dtype=jnp.float32)
    return {"z": z, "codebook": codebook}


def reference(z, codebook):
    B, C, T = z.shape
    flat = jnp.transpose(z, (0, 2, 1)).reshape(-1, C)
    x2 = jnp.sum(flat ** 2, axis=1, keepdims=True)
    e2 = jnp.sum(codebook ** 2, axis=1)[None, :]
    xe = flat @ codebook.T
    dist = x2 + e2 - 2.0 * xe
    codes = jnp.argmin(dist, axis=1)
    z_q = jnp.take(codebook, codes, axis=0).reshape(B, T, C)
    z_q = jnp.transpose(z_q, (0, 2, 1))
    vq_loss = COMMITMENT_COST * jnp.mean((z - jax.lax.stop_gradient(z_q)) ** 2)
    z_q_st = z + jax.lax.stop_gradient(z_q - z)
    codes = codes.reshape(B, T)
    return (z_q_st, codes, vq_loss)

if __name__ == "__main__":
    import jax
    _d = setup_inputs()
    print(jax.jit(kernel)(*tuple(_d.values())))

</pallas_src>

<mosaic_0001>
#map = affine_map<(d0, d1) -> (0)>
module attributes {stable_mosaic.version = 14 : i64} {
  func.func @sc_gather(%arg0: i32, %arg1: i32, %arg2: memref<65536xf32, #tpu.memory_space<hbm>>, %arg3: memref<16384xi32, #tpu.memory_space<hbm>>, %arg4: memref<1048576xf32, #tpu.memory_space<hbm>>, %arg5: memref<2048xf32, #tpu.memory_space<vmem>>, %arg6: memref<16384xi32, #tpu.memory_space<vmem>>, %arg7: memref<2048xf32, #tpu.memory_space<vmem>>) attributes {dimension_semantics = [#tpu.dimension_semantics<core_parallel>, #tpu.dimension_semantics<subcore_parallel>], iteration_bounds = array<i64: 2, 16>, scalar_prefetch = 0 : i64, scratch_operands = 3 : i64, tpu.core_type = #tpu.core_type<sc_vector_subcore>, window_params = [{transform_indices = #map}, {transform_indices = #map}, {transform_indices = #map}]} {
    %mul3A = arith.constant 2 : i32
    %mul3A_0 = arith.muli %arg1, %mul3A : i32
    %add3A = arith.addi %mul3A_0, %arg0 : i32
    %mul3A_1 = arith.constant 2 : i32
    %mul3A_2 = arith.muli %add3A, %mul3A_1 : i32
    %mul3A_3 = arith.constant 1024 : i32
    %mul3A_4 = arith.muli %mul3A_2, %mul3A_3 : i32
    "tpu.region"() ({
      %run_scoped3A = tpu.sem_alloc : memref<!tpu.dma_semaphore, #tpu.memory_space<semaphore_mem>>
      %dma_start3A = tpu.memref_slice %arg2[%mul3A_4] : memref<65536xf32, #tpu.memory_space<hbm>> -> memref<2048xf32, #tpu.memory_space<hbm>>
      %dma_start3A_10 = tpu.memref_slice %arg2[%mul3A_4] : memref<65536xf32, #tpu.memory_space<hbm>> -> memref<2048xf32, #tpu.memory_space<hbm>>
      tpu.enqueue_dma source(%dma_start3A_10 : memref<2048xf32, #tpu.memory_space<hbm>>) target(%arg5 : memref<2048xf32, #tpu.memory_space<vmem>>) target_semaphore(%run_scoped3A : memref<!tpu.dma_semaphore, #tpu.memory_space<semaphore_mem>>)
      %dma_wait3A = tpu.memref_slice %arg2[%mul3A_4] : memref<65536xf32, #tpu.memory_space<hbm>> -> memref<2048xf32, #tpu.memory_space<hbm>>
      %dma_wait3A_11 = tpu.memref_slice %arg2[%mul3A_4] : memref<65536xf32, #tpu.memory_space<hbm>> -> memref<2048xf32, #tpu.memory_space<hbm>>
      tpu.wait_dma2 semaphore(%run_scoped3A : memref<!tpu.dma_semaphore, #tpu.memory_space<semaphore_mem>>) src(%dma_wait3A_11 : memref<2048xf32, #tpu.memory_space<hbm>>) dst(%arg5 : memref<2048xf32, #tpu.memory_space<vmem>>)
      tpu.yield
    }) : () -> ()
    "tpu.region"() ({
      %run_scoped3A = tpu.sem_alloc : memref<!tpu.dma_semaphore, #tpu.memory_space<semaphore_mem>>
      tpu.enqueue_dma source(%arg3 : memref<16384xi32, #tpu.memory_space<hbm>>) target(%arg6 : memref<16384xi32, #tpu.memory_space<vmem>>) target_semaphore(%run_scoped3A : memref<!tpu.dma_semaphore, #tpu.memory_space<semaphore_mem>>)
      tpu.wait_dma2 semaphore(%run_scoped3A : memref<!tpu.dma_semaphore, #tpu.memory_space<semaphore_mem>>) src(%arg3 : memref<16384xi32, #tpu.memory_space<hbm>>) dst(%arg6 : memref<16384xi32, #tpu.memory_space<vmem>>)
      tpu.yield
    }) : () -> ()
    %scan3A = arith.constant 0 : i32
    %scan3A_5 = arith.constant 0 : i32
    %scan3A_6 = arith.constant 16 : i32
    %scan3A_7 = arith.addi %scan3A_5, %scan3A_6 : i32
    %scan3A_8 = arith.constant 1 : i32
    scf.for %scan3A_10 = %scan3A_5 to %scan3A_7 step %scan3A_8  : i32 {
      %mul3A_11 = arith.constant 1024 : i32
      %mul3A_12 = arith.muli %scan3A_10, %mul3A_11 : i32
      %add3A_13 = arith.constant 0 : i32
      %add3A_14 = arith.addi %mul3A_12, %add3A_13 : i32
      %get3A = arith.index_cast %add3A_14 : i32 to index
      %get3A_15 = tpu.vector_load %arg6[%get3A] {strides = array<i32>} : memref<16384xi32, #tpu.memory_space<vmem>>, vector<16xi32>,
      %add3A_16 = arith.constant 0 : i32
      %add3A_17 = vector.broadcast %add3A_16 : i32 to vector<16xi32>
      %add3A_18 = arith.addi %get3A_15, %add3A_17 : vector<16xi32>
      %gather3A = tpu.vector_load_idx %arg5[%add3A_18] : memref<2048xf32, #tpu.memory_space<vmem>>[vector<16xi32>], vector<16xf32>,
      %swap3A = arith.constant 0 : index
      %swap3A_19 = tpu.vector_load %arg7[%swap3A] {strides = array<i32>} : memref<2048xf32, #tpu.memory_space<vmem>>, vector<16xf32>,
      tpu.vector_store %arg7[%swap3A], %gather3A {strides = array<i32>} : memref<2048xf32, #tpu.memory_space<vmem>>, vector<16xf32>,
      %mul3A_20 = arith.constant 1024 : i32
      %mul3A_21 = arith.muli %scan3A_10, %mul3A_20 : i32
      %add3A_22 = arith.constant 16 : i32
      %add3A_23 = arith.addi %mul3A_21, %add3A_22 : i32
      %get3A_24 = arith.index_cast %add3A_23 : i32 to index
      %get3A_25 = tpu.vector_load %arg6[%get3A_24] {strides = array<i32>} : memref<16384xi32, #tpu.memory_space<vmem>>, vector<16xi32>,
      %add3A_26 = arith.constant 0 : i32
      %add3A_27 = vector.broadcast %add3A_26 : i32 to vector<16xi32>
      %add3A_28 = arith.addi %get3A_25, %add3A_27 : vector<16xi32>
      %gather3A_29 = tpu.vector_load_idx %arg5[%add3A_28] : memref<2048xf32, #tpu.memory_space<vmem>>[vector<16xi32>], vector<16xf32>,
      %swap3A_30 = arith.constant 16 : index
      %swap3A_31 = tpu.vector_load %arg7[%swap3A_30] {strides = array<i32>} : memref<2048xf32, #tpu.memory_space<vmem>>, vector<16xf32>,
      tpu.vector_store %arg7[%swap3A_30], %gather3A_29 {strides = array<i32>} : memref<2048xf32, #tpu.memory_space<vmem>>, vector<16xf32>,
      %mul3A_32 = arith.constant 1024 : i32
      %mul3A_33 = arith.muli %scan3A_10, %mul3A_32 : i32
      %add3A_34 = arith.constant 32 : i32
      %add3A_35 = arith.addi %mul3A_33, %add3A_34 : i32
      %get3A_36 = arith.index_cast %add3A_35 : i32 to index
      %get3A_37 = tpu.vector_load %arg6[%get3A_36] {strides = array<i32>} : memref<16384xi32, #tpu.memory_space<vmem>>, vector<16xi32>,
      %add3A_38 = arith.constant 0 : i32
      %add3A_39 = vector.broadcast %add3A_38 : i32 to vector<16xi32>
      %add3A_40 = arith.addi %get3A_37, %add3A_39 : vector<16xi32>
      %gather3A_41 = tpu.vector_load_idx %arg5[%add3A_40] : memref<2048xf32, #tpu.memory_space<vmem>>[vector<16xi32>], vector<16xf32>,
      %swap3A_42 = arith.constant 32 : index
      %swap3A_43 = tpu.vector_load %arg7[%swap3A_42] {strides = array<i32>} : memref<2048xf32, #tpu.memory_space<vmem>>, vector<16xf32>,
      tpu.vector_store %arg7[%swap3A_42], %gather3A_41 {strides = array<i32>} : memref<2048xf32, #tpu.memory_space<vmem>>, vector<16xf32>,
      %mul3A_44 = arith.constant 1024 : i32
      %mul3A_45 = arith.muli %scan3A_10, %mul3A_44 : i32
      %add3A_46 = arith.constant 48 : i32
      %add3A_47 = arith.addi %mul3A_45, %add3A_46 : i32
      %get3A_48 = arith.index_cast %add3A_47 : i32 to index
      %get3A_49 = tpu.vector_load %arg6[%get3A_48] {strides = array<i32>} : memref<16384xi32, #tpu.memory_space<vmem>>, vector<16xi32>,
      %add3A_50 = arith.constant 0 : i32
      %add3A_51 = vector.broadcast %add3A_50 : i32 to vector<16xi32>
      %add3A_52 = arith.addi %get3A_49, %add3A_51 : vector<16xi32>
      %gather3A_53 = tpu.vector_load_idx %arg5[%add3A_52] : memref<2048xf32, #tpu.memory_space<vmem>>[vector<16xi32>], vector<16xf32>,
      %swap3A_54 = arith.constant 48 : index
      %swap3A_55 = tpu.vector_load %arg7[%swap3A_54] {strides = array<i32>} : memref<2048xf32, #tpu.memory_space<vmem>>, vector<16xf32>,
      tpu.vector_store %arg7[%swap3A_54], %gather3A_53 {strides = array<i32>} : memref<2048xf32, #tpu.memory_space<vmem>>, vector<16xf32>,
      %mul3A_56 = arith.constant 1024 : i32
      %mul3A_57 = arith.muli %scan3A_10, %mul3A_56 : i32
      %add3A_58 = arith.constant 64 : i32
      %add3A_59 = arith.addi %mul3A_57, %add3A_58 : i32
      %get3A_60 = arith.index_cast %add3A_59 : i32 to index
      %get3A_61 = tpu.vector_load %arg6[%get3A_60] {strides = array<i32>} : memref<16384xi32, #tpu.memory_space<vmem>>, vector<16xi32>,
      %add3A_62 = arith.constant 0 : i32
      %add3A_63 = vector.broadcast %add3A_62 : i32 to vector<16xi32>
      %add3A_64 = arith.addi %get3A_61, %add3A_63 : vector<16xi32>
      %gather3A_65 = tpu.vector_load_idx %arg5[%add3A_64] : memref<2048xf32, #tpu.memory_space<vmem>>[vector<16xi32>], vector<16xf32>,
      %swap3A_66 = arith.constant 64 : index
      %swap3A_67 = tpu.vector_load %arg7[%swap3A_66] {strides = array<i32>} : memref<2048xf32, #tpu.memory_space<vmem>>, vector<16xf32>,
      tpu.vector_store %arg7[%swap3A_66], %gather3A_65 {strides = array<i32>} : memref<2048xf32, #tpu.memory_space<vmem>>, vector<16xf32>,
      %mul3A_68 = arith.constant 1024 : i32
      %mul3A_69 = arith.muli %scan3A_10, %mul3A_68 : i32
      %add3A_70 = arith.constant 80 : i32
      %add3A_71 = arith.addi %mul3A_69, %add3A_70 : i32
      %get3A_72 = arith.index_cast %add3A_71 : i32 to index
      %get3A_73 = tpu.vector_load %arg6[%get3A_72] {strides = array<i32>} : memref<16384xi32, #tpu.memory_space<vmem>>, vector<16xi32>,
      %add3A_74 = arith.constant 0 : i32
      %add3A_75 = vector.broadcast %add3A_74 : i32 to vector<16xi32>
      %add3A_76 = arith.addi %get3A_73, %add3A_75 : vector<16xi32>
      %gather3A_77 = tpu.vector_load_idx %arg5[%add3A_76] : memref<2048xf32, #tpu.memory_space<vmem>>[vector<16xi32>], vector<16xf32>,
      %swap3A_78 = arith.constant 80 : index
      %swap3A_79 = tpu.vector_load %arg7[%swap3A_78] {strides = array<i32>} : memref<2048xf32, #tpu.memory_space<vmem>>, vector<16xf32>,
      tpu.vector_store %arg7[%swap3A_78], %gather3A_77 {strides = array<i32>} : memref<2048xf32, #tpu.memory_space<vmem>>, vector<16xf32>,
      %mul3A_80 = arith.constant 1024 : i32
      %mul3A_81 = arith.muli %scan3A_10, %mul3A_80 : i32
      %add3A_82 = arith.constant 96 : i32
      %add3A_83 = arith.addi %mul3A_81, %add3A_82 : i32
      %get3A_84 = arith.index_cast %add3A_83 : i32 to index
      %get3A_85 = tpu.vector_load %arg6[%get3A_84] {strides = array<i32>} : memref<16384xi32, #tpu.memory_space<vmem>>, vector<16xi32>,
      %add3A_86 = arith.constant 0 : i32
      %add3A_87 = vector.broadcast %add3A_86 : i32 to vector<16xi32>
      %add3A_88 = arith.addi %get3A_85, %add3A_87 : vector<16xi32>
      %gather3A_89 = tpu.vector_load_idx %arg5[%add3A_88] : memref<2048xf32, #tpu.memory_space<vmem>>[vector<16xi32>], vector<16xf32>,
      %swap3A_90 = arith.constant 96 : index
      %swap3A_91 = tpu.vector_load %arg7[%swap3A_90] {strides = array<i32>} : memref<2048xf32, #tpu.memory_space<vmem>>, vector<16xf32>,
      tpu.vector_store %arg7[%swap3A_90], %gather3A_89 {strides = array<i32>} : memref<2048xf32, #tpu.memory_space<vmem>>, vector<16xf32>,
      %mul3A_92 = arith.constant 1024 : i32
      %mul3A_93 = arith.muli %scan3A_10, %mul3A_92 : i32
      %add3A_94 = arith.constant 112 : i32
      %add3A_95 = arith.addi %mul3A_93, %add3A_94 : i32
      %get3A_96 = arith.index_cast %add3A_95 : i32 to index
      %get3A_97 = tpu.vector_load %arg6[%get3A_96] {strides = array<i32>} : memref<16384xi32, #tpu.memory_space<vmem>>, vector<16xi32>,
      %add3A_98 = arith.constant 0 : i32
      %add3A_99 = vector.broadcast %add3A_98 : i32 to vector<16xi32>
      %add3A_100 = arith.addi %get3A_97, %add3A_99 : vector<16xi32>
      %gather3A_101 = tpu.vector_load_idx %arg5[%add3A_100] : memref<2048xf32, #tpu.memory_space<vmem>>[vector<16xi32>], vector<16xf32>,
      %swap3A_102 = arith.constant 112 : index
      %swap3A_103 = tpu.vector_load %arg7[%swap3A_102] {strides = array<i32>} : memref<2048xf32, #tpu.memory_space<vmem>>, vector<16xf32>,
      tpu.vector_store %arg7[%swap3A_102], %gather3A_101 {strides = array<i32>} : memref<2048xf32, #tpu.memory_space<vmem>>, vector<16xf32>,
      %mul3A_104 = arith.constant 1024 : i32
      %mul3A_105 = arith.muli %scan3A_10, %mul3A_104 : i32
      %add3A_106 = arith.constant 128 : i32
      %add3A_107 = arith.addi %mul3A_105, %add3A_106 : i32
      %get3A_108 = arith.index_cast %add3A_107 : i32 to index
      %get3A_109 = tpu.vector_load %arg6[%get3A_108] {strides = array<i32>} : memref<16384xi32, #tpu.memory_space<vmem>>, vector<16xi32>,
      %add3A_110 = arith.constant 0 : i32
      %add3A_111 = vector.broadcast %add3A_110 : i32 to vector<16xi32>
      %add3A_112 = arith.addi %get3A_109, %add3A_111 : vector<16xi32>
      %gather3A_113 = tpu.vector_load_idx %arg5[%add3A_112] : memref<2048xf32, #tpu.memory_space<vmem>>[vector<16xi32>], vector<16xf32>,
      %swap3A_114 = arith.constant 128 : index
      %swap3A_115 = tpu.vector_load %arg7[%swap3A_114] {strides = array<i32>} : memref<2048xf32, #tpu.memory_space<vmem>>, vector<16xf32>,
      tpu.vector_store %arg7[%swap3A_114], %gather3A_113 {strides = array<i32>} : memref<2048xf32, #tpu.memory_space<vmem>>, vector<16xf32>,
      %mul3A_116 = arith.constant 1024 : i32
      %mul3A_117 = arith.muli %scan3A_10, %mul3A_116 : i32
      %add3A_118 = arith.constant 144 : i32
      %add3A_119 = arith.addi %mul3A_117, %add3A_118 : i32
      %get3A_120 = arith.index_cast %add3A_119 : i32 to index
      %get3A_121 = tpu.vector_load %arg6[%get3A_120] {strides = array<i32>} : memref<16384xi32, #tpu.memory_space<vmem>>, vector<16xi32>,
      %add3A_122 = arith.constant 0 : i32
      %add3A_123 = vector.broadcast %add3A_122 : i32 to vector<16xi32>
      %add3A_124 = arith.addi %get3A_121, %add3A_123 : vector<16xi32>
      %gather3A_125 = tpu.vector_load_idx %arg5[%add3A_124] : memref<2048xf32, #tpu.memory_space<vmem>>[vector<16xi32>], vector<16xf32>,
      %swap3A_126 = arith.constant 144 : index
      %swap3A_127 = tpu.vector_load %arg7[%swap3A_126] {strides = array<i32>} : memref<2048xf32, #tpu.memory_space<vmem>>, vector<16xf32>,
      tpu.vector_store %arg7[%swap3A_126], %gather3A_125 {strides = array<i32>} : memref<2048xf32, #tpu.memory_space<vmem>>, vector<16xf32>,
      %mul3A_128 = arith.constant 1024 : i32
      %mul3A_129 = arith.muli %scan3A_10, %mul3A_128 : i32
      %add3A_130 = arith.constant 160 : i32
      %add3A_131 = arith.addi %mul3A_129, %add3A_130 : i32
      %get3A_132 = arith.index_cast %add3A_131 : i32 to index
      %get3A_133 = tpu.vector_load %arg6[%get3A_132] {strides = array<i32>} : memref<16384xi32, #tpu.memory_space<vmem>>, vector<16xi32>,
      %add3A_134 = arith.constant 0 : i32
      %add3A_135 = vector.broadcast %add3A_134 : i32 to vector<16xi32>
      %add3A_136 = arith.addi %get3A_133, %add3A_135 : vector<16xi32>
      %gather3A_137 = tpu.vector_load_idx %arg5[%add3A_136] : memref<2048xf32, #tpu.memory_space<vmem>>[vector<16xi32>], vector<16xf32>,
      %swap3A_138 = arith.constant 160 : index
      %swap3A_139 = tpu.vector_load %arg7[%swap3A_138] {strides = array<i32>} : memref<2048xf32, #tpu.memory_space<vmem>>, vector<16xf32>,
      tpu.vector_store %arg7[%swap3A_138], %gather3A_137 {strides = array<i32>} : memref<2048xf32, #tpu.memory_space<vmem>>, vector<16xf32>,
      %mul3A_140 = arith.constant 1024 : i32
      %mul3A_141 = arith.muli %scan3A_10, %mul3A_140 : i32
      %add3A_142 = arith.constant 176 : i32
      %add3A_143 = arith.addi %mul3A_141, %add3A_142 : i32
      %get3A_144 = arith.index_cast %add3A_143 : i32 to index
      %get3A_145 = tpu.vector_load %arg6[%get3A_144] {strides = array<i32>} : memref<16384xi32, #tpu.memory_space<vmem>>, vector<16xi32>,
      %add3A_146 = arith.constant 0 : i32
      %add3A_147 = vector.broadcast %add3A_146 : i32 to vector<16xi32>
      %add3A_148 = arith.addi %get3A_145, %add3A_147 : vector<16xi32>
      %gather3A_149 = tpu.vector_load_idx %arg5[%add3A_148] : memref<2048xf32, #tpu.memory_space<vmem>>[vector<16xi32>], vector<16xf32>,
      %swap3A_150 = arith.constant 176 : index
      %swap3A_151 = tpu.vector_load %arg7[%swap3A_150] {strides = array<i32>} : memref<2048xf32, #tpu.memory_space<vmem>>, vector<16xf32>,
      tpu.vector_store %arg7[%swap3A_150], %gather3A_149 {strides = array<i32>} : memref<2048xf32, #tpu.memory_space<vmem>>, vector<16xf32>,
      %mul3A_152 = arith.constant 1024 : i32
      %mul3A_153 = arith.muli %scan3A_10, %mul3A_152 : i32
      %add3A_154 = arith.constant 192 : i32
      %add3A_155 = arith.addi %mul3A_153, %add3A_154 : i32
      %get3A_156 = arith.index_cast %add3A_155 : i32 to index
      %get3A_157 = tpu.vector_load %arg6[%get3A_156] {strides = array<i32>} : memref<16384xi32, #tpu.memory_space<vmem>>, vector<16xi32>,
      %add3A_158 = arith.constant 0 : i32
      %add3A_159 = vector.broadcast %add3A_158 : i32 to vector<16xi32>
      %add3A_160 = arith.addi %get3A_157, %add3A_159 : vector<16xi32>
      %gather3A_161 = tpu.vector_load_idx %arg5[%add3A_160] : memref<2048xf32, #tpu.memory_space<vmem>>[vector<16xi32>], vector<16xf32>,
      %swap3A_162 = arith.constant 192 : index
      %swap3A_163 = tpu.vector_load %arg7[%swap3A_162] {strides = array<i32>} : memref<2048xf32, #tpu.memory_space<vmem>>, vector<16xf32>,
      tpu.vector_store %arg7[%swap3A_162], %gather3A_161 {strides = array<i32>} : memref<2048xf32, #tpu.memory_space<vmem>>, vector<16xf32>,
      %mul3A_164 = arith.constant 1024 : i32
      %mul3A_165 = arith.muli %scan3A_10, %mul3A_164 : i32
      %add3A_166 = arith.constant 208 : i32
      %add3A_167 = arith.addi %mul3A_165, %add3A_166 : i32
      %get3A_168 = arith.index_cast %add3A_167 : i32 to index
      %get3A_169 = tpu.vector_load %arg6[%get3A_168] {strides = array<i32>} : memref<16384xi32, #tpu.memory_space<vmem>>, vector<16xi32>,
      %add3A_170 = arith.constant 0 : i32
      %add3A_171 = vector.broadcast %add3A_170 : i32 to vector<16xi32>
      %add3A_172 = arith.addi %get3A_169, %add3A_171 : vector<16xi32>
      %gather3A_173 = tpu.vector_load_idx %arg5[%add3A_172] : memref<2048xf32, #tpu.memory_space<vmem>>[vector<16xi32>], vector<16xf32>,
      %swap3A_174 = arith.constant 208 : index
      %swap3A_175 = tpu.vector_load %arg7[%swap3A_174] {strides = array<i32>} : memref<2048xf32, #tpu.memory_space<vmem>>, vector<16xf32>,
      tpu.vector_store %arg7[%swap3A_174], %gather3A_173 {strides = array<i32>} : memref<2048xf32, #tpu.memory_space<vmem>>, vector<16xf32>,
      %mul3A_176 = arith.constant 1024 : i32
      %mul3A_177 = arith.muli %scan3A_10, %mul3A_176 : i32
      %add3A_178 = arith.constant 224 : i32
      %add3A_179 = arith.addi %mul3A_177, %add3A_178 : i32
      %get3A_180 = arith.index_cast %add3A_179 : i32 to index
      %get3A_181 = tpu.vector_load %arg6[%get3A_180] {strides = array<i32>} : memref<16384xi32, #tpu.memory_space<vmem>>, vector<16xi32>,
      %add3A_182 = arith.constant 0 : i32
      %add3A_183 = vector.broadcast %add3A_182 : i32 to vector<16xi32>
      %add3A_184 = arith.addi %get3A_181, %add3A_183 : vector<16xi32>
      %gather3A_185 = tpu.vector_load_idx %arg5[%add3A_184] : memref<2048xf32, #tpu.memory_space<vmem>>[vector<16xi32>], vector<16xf32>,
      %swap3A_186 = arith.constant 224 : index
      %swap3A_187 = tpu.vector_load %arg7[%swap3A_186] {strides = array<i32>} : memref<2048xf32, #tpu.memory_space<vmem>>, vector<16xf32>,
      tpu.vector_store %arg7[%swap3A_186], %gather3A_185 {strides = array<i32>} : memref<2048xf32, #tpu.memory_space<vmem>>, vector<16xf32>,
      %mul3A_188 = arith.constant 1024 : i32
      %mul3A_189 = arith.muli %scan3A_10, %mul3A_188 : i32
      %add3A_190 = arith.constant 240 : i32
      %add3A_191 = arith.addi %mul3A_189, %add3A_190 : i32
      %get3A_192 = arith.index_cast %add3A_191 : i32 to index
      %get3A_193 = tpu.vector_load %arg6[%get3A_192] {strides = array<i32>} : memref<16384xi32, #tpu.memory_space<vmem>>, vector<16xi32>,
      %add3A_194 = arith.constant 0 : i32
      %add3A_195 = vector.broadcast %add3A_194 : i32 to vector<16xi32>
      %add3A_196 = arith.addi %get3A_193, %add3A_195 : vector<16xi32>
      %gather3A_197 = tpu.vector_load_idx %arg5[%add3A_196] : memref<2048xf32, #tpu.memory_space<vmem>>[vector<16xi32>], vector<16xf32>,
      %swap3A_198 = arith.constant 240 : index
      %swap3A_199 = tpu.vector_load %arg7[%swap3A_198] {strides = array<i32>} : memref<2048xf32, #tpu.memory_space<vmem>>, vector<16xf32>,
      tpu.vector_store %arg7[%swap3A_198], %gather3A_197 {strides = array<i32>} : memref<2048xf32, #tpu.memory_space<vmem>>, vector<16xf32>,
      %mul3A_200 = arith.constant 1024 : i32
      %mul3A_201 = arith.muli %scan3A_10, %mul3A_200 : i32
      %add3A_202 = arith.constant 256 : i32
      %add3A_203 = arith.addi %mul3A_201, %add3A_202 : i32
      %get3A_204 = arith.index_cast %add3A_203 : i32 to index
      %get3A_205 = tpu.vector_load %arg6[%get3A_204] {strides = array<i32>} : memref<16384xi32, #tpu.memory_space<vmem>>, vector<16xi32>,
      %add3A_206 = arith.constant 0 : i32
      %add3A_207 = vector.broadcast %add3A_206 : i32 to vector<16xi32>
      %add3A_208 = arith.addi %get3A_205, %add3A_207 : vector<16xi32>
      %gather3A_209 = tpu.vector_load_idx %arg5[%add3A_208] : memref<2048xf32, #tpu.memory_space<vmem>>[vector<16xi32>], vector<16xf32>,
      %swap3A_210 = arith.constant 256 : index
      %swap3A_211 = tpu.vector_load %arg7[%swap3A_210] {strides = array<i32>} : memref<2048xf32, #tpu.memory_space<vmem>>, vector<16xf32>,
      tpu.vector_store %arg7[%swap3A_210], %gather3A_209 {strides = array<i32>} : memref<2048xf32, #tpu.memory_space<vmem>>, vector<16xf32>,
      %mul3A_212 = arith.constant 1024 : i32
      %mul3A_213 = arith.muli %scan3A_10, %mul3A_212 : i32
      %add3A_214 = arith.constant 272 : i32
      %add3A_215 = arith.addi %mul3A_213, %add3A_214 : i32
      %get3A_216 = arith.index_cast %add3A_215 : i32 to index
      %get3A_217 = tpu.vector_load %arg6[%get3A_216] {strides = array<i32>} : memref<16384xi32, #tpu.memory_space<vmem>>, vector<16xi32>,
      %add3A_218 = arith.constant 0 : i32
      %add3A_219 = vector.broadcast %add3A_218 : i32 to vector<16xi32>
      %add3A_220 = arith.addi %get3A_217, %add3A_219 : vector<16xi32>
      %gather3A_221 = tpu.vector_load_idx %arg5[%add3A_220] : memref<2048xf32, #tpu.memory_space<vmem>>[vector<16xi32>], vector<16xf32>,
      %swap3A_222 = arith.constant 272 : index
      %swap3A_223 = tpu.vector_load %arg7[%swap3A_222] {strides = array<i32>} : memref<2048xf32, #tpu.memory_space<vmem>>, vector<16xf32>,
      tpu.vector_store %arg7[%swap3A_222], %gather3A_221 {strides = array<i32>} : memref<2048xf32, #tpu.memory_space<vmem>>, vector<16xf32>,
      %mul3A_224 = arith.constant 1024 : i32
      %mul3A_225 = arith.muli %scan3A_10, %mul3A_224 : i32
      %add3A_226 = arith.constant 288 : i32
      %add3A_227 = arith.addi %mul3A_225, %add3A_226 : i32
      %get3A_228 = arith.index_cast %add3A_227 : i32 to index
      %get3A_229 = tpu.vector_load %arg6[%get3A_228] {strides = array<i32>} : memref<16384xi32, #tpu.memory_space<vmem>>, vector<16xi32>,
      %add3A_230 = arith.constant 0 : i32
      %add3A_231 = vector.broadcast %add3A_230 : i32 to vector<16xi32>
      %add3A_232 = arith.addi %get3A_229, %add3A_231 : vector<16xi32>
      %gather3A_233 = tpu.vector_load_idx %arg5[%add3A_232] : memref<2048xf32, #tpu.memory_space<vmem>>[vector<16xi32>], vector<16xf32>,
      %swap3A_234 = arith.constant 288 : index
      %swap3A_235 = tpu.vector_load %arg7[%swap3A_234] {strides = array<i32>} : memref<2048xf32, #tpu.memory_space<vmem>>, vector<16xf32>,
      tpu.vector_store %arg7[%swap3A_234], %gather3A_233 {strides = array<i32>} : memref<2048xf32, #tpu.memory_space<vmem>>, vector<16xf32>,
      %mul3A_236 = arith.constant 1024 : i32
      %mul3A_237 = arith.muli %scan3A_10, %mul3A_236 : i32
      %add3A_238 = arith.constant 304 : i32
      %add3A_239 = arith.addi %mul3A_237, %add3A_238 : i32
      %get3A_240 = arith.index_cast %add3A_239 : i32 to index
      %get3A_241 = tpu.vector_load %arg6[%get3A_240] {strides = array<i32>} : memref<16384xi32, #tpu.memory_space<vmem>>, vector<16xi32>,
      %add3A_242 = arith.constant 0 : i32
      %add3A_243 = vector.broadcast %add3A_242 : i32 to vector<16xi32>
      %add3A_244 = arith.addi %get3A_241, %add3A_243 : vector<16xi32>
      %gather3A_245 = tpu.vector_load_idx %arg5[%add3A_244] : memref<2048xf32, #tpu.memory_space<vmem>>[vector<16xi32>], vector<16xf32>,
      %swap3A_246 = arith.constant 304 : index
      %swap3A_247 = tpu.vector_load %arg7[%swap3A_246] {strides = array<i32>} : memref<2048xf32, #tpu.memory_space<vmem>>, vector<16xf32>,
      tpu.vector_store %arg7[%swap3A_246], %gather3A_245 {strides = array<i32>} : memref<2048xf32, #tpu.memory_space<vmem>>, vector<16xf32>,
      %mul3A_248 = arith.constant 1024 : i32
      %mul3A_249 = arith.muli %scan3A_10, %mul3A_248 : i32
      %add3A_250 = arith.constant 320 : i32
      %add3A_251 = arith.addi %mul3A_249, %add3A_250 : i32
      %get3A_252 = arith.index_cast %add3A_251 : i32 to index
      %get3A_253 = tpu.vector_load %arg6[%get3A_252] {strides = array<i32>} : memref<16384xi32, #tpu.memory_space<vmem>>, vector<16xi32>,
      %add3A_254 = arith.constant 0 : i32
      %add3A_255 = vector.broadcast %add3A_254 : i32 to vector<16xi32>
      %add3A_256 = arith.addi %get3A_253, %add3A_255 : vector<16xi32>
      %gather3A_257 = tpu.vector_load_idx %arg5[%add3A_256] : memref<2048xf32, #tpu.memory_space<vmem>>[vector<16xi32>], vector<16xf32>,
      %swap3A_258 = arith.constant 320 : index
      %swap3A_259 = tpu.vector_load %arg7[%swap3A_258] {strides = array<i32>} : memref<2048xf32, #tpu.memory_space<vmem>>, vector<16xf32>,
      tpu.vector_store %arg7[%swap3A_258], %gather3A_257 {strides = array<i32>} : memref<2048xf32, #tpu.memory_space<vmem>>, vector<16xf32>,
      %mul3A_260 = arith.constant 1024 : i32
      %mul3A_261 = arith.muli %scan3A_10, %mul3A_260 : i32
      %add3A_262 = arith.constant 336 : i32
      %add3A_263 = arith.addi %mul3A_261, %add3A_262 : i32
      %get3A_264 = arith.index_cast %add3A_263 : i32 to index
      %get3A_265 = tpu.vector_load %arg6[%get3A_264] {strides = array<i32>} : memref<16384xi32, #tpu.memory_space<vmem>>, vector<16xi32>,
      %add3A_266 = arith.constant 0 : i32
      %add3A_267 = vector.broadcast %add3A_266 : i32 to vector<16xi32>
      %add3A_268 = arith.addi %get3A_265, %add3A_267 : vector<16xi32>
      %gather3A_269 = tpu.vector_load_idx %arg5[%add3A_268] : memref<2048xf32, #tpu.memory_space<vmem>>[vector<16xi32>], vector<16xf32>,
      %swap3A_270 = arith.constant 336 : index
      %swap3A_271 = tpu.vector_load %arg7[%swap3A_270] {strides = array<i32>} : memref<2048xf32, #tpu.memory_space<vmem>>, vector<16xf32>,
      tpu.vector_store %arg7[%swap3A_270], %gather3A_269 {strides = array<i32>} : memref<2048xf32, #tpu.memory_space<vmem>>, vector<16xf32>,
      %mul3A_272 = arith.constant 1024 : i32
      %mul3A_273 = arith.muli %scan3A_10, %mul3A_272 : i32
      %add3A_274 = arith.constant 352 : i32
      %add3A_275 = arith.addi %mul3A_273, %add3A_274 : i32
      %get3A_276 = arith.index_cast %add3A_275 : i32 to index
      %get3A_277 = tpu.vector_load %arg6[%get3A_276] {strides = array<i32>} : memref<16384xi32, #tpu.memory_space<vmem>>, vector<16xi32>,
      %add3A_278 = arith.constant 0 : i32
      %add3A_279 = vector.broadcast %add3A_278 : i32 to vector<16xi32>
      %add3A_280 = arith.addi %get3A_277, %add3A_279 : vector<16xi32>
      %gather3A_281 = tpu.vector_load_idx %arg5[%add3A_280] : memref<2048xf32, #tpu.memory_space<vmem>>[vector<16xi32>], vector<16xf32>,
      %swap3A_282 = arith.constant 352 : index
      %swap3A_283 = tpu.vector_load %arg7[%swap3A_282] {strides = array<i32>} : memref<2048xf32, #tpu.memory_space<vmem>>, vector<16xf32>,
      tpu.vector_store %arg7[%swap3A_282], %gather3A_281 {strides = array<i32>} : memref<2048xf32, #tpu.memory_space<vmem>>, vector<16xf32>,
      %mul3A_284 = arith.constant 1024 : i32
      %mul3A_285 = arith.muli %scan3A_10, %mul3A_284 : i32
      %add3A_286 = arith.constant 368 : i32
      %add3A_287 = arith.addi %mul3A_285, %add3A_286 : i32
      %get3A_288 = arith.index_cast %add3A_287 : i32 to index
      %get3A_289 = tpu.vector_load %arg6[%get3A_288] {strides = array<i32>} : memref<16384xi32, #tpu.memory_space<vmem>>, vector<16xi32>,
      %add3A_290 = arith.constant 0 : i32
      %add3A_291 = vector.broadcast %add3A_290 : i32 to vector<16xi32>
      %add3A_292 = arith.addi %get3A_289, %add3A_291 : vector<16xi32>
      %gather3A_293 = tpu.vector_load_idx %arg5[%add3A_292] : memref<2048xf32, #tpu.memory_space<vmem>>[vector<16xi32>], vector<16xf32>,
      %swap3A_294 = arith.constant 368 : index
      %swap3A_295 = tpu.vector_load %arg7[%swap3A_294] {strides = array<i32>} : memref<2048xf32, #tpu.memory_space<vmem>>, vector<16xf32>,
      tpu.vector_store %arg7[%swap3A_294], %gather3A_293 {strides = array<i32>} : memref<2048xf32, #tpu.memory_space<vmem>>, vector<16xf32>,
      %mul3A_296 = arith.constant 1024 : i32
      %mul3A_297 = arith.muli %scan3A_10, %mul3A_296 : i32
      %add3A_298 = arith.constant 384 : i32
      %add3A_299 = arith.addi %mul3A_297, %add3A_298 : i32
      %get3A_300 = arith.index_cast %add3A_299 : i32 to index
      %get3A_301 = tpu.vector_load %arg6[%get3A_300] {strides = array<i32>} : memref<16384xi32, #tpu.memory_space<vmem>>, vector<16xi32>,
      %add3A_302 = arith.constant 0 : i32
      %add3A_303 = vector.broadcast %add3A_302 : i32 to vector<16xi32>
      %add3A_304 = arith.addi %get3A_301, %add3A_303 : vector<16xi32>
      %gather3A_305 = tpu.vector_load_idx %arg5[%add3A_304] : memref<2048xf32, #tpu.memory_space<vmem>>[vector<16xi32>], vector<16xf32>,
      %swap3A_306 = arith.constant 384 : index
      %swap3A_307 = tpu.vector_load %arg7[%swap3A_306] {strides = array<i32>} : memref<2048xf32, #tpu.memory_space<vmem>>, vector<16xf32>,
      tpu.vector_store %arg7[%swap3A_306], %gather3A_305 {strides = array<i32>} : memref<2048xf32, #tpu.memory_space<vmem>>, vector<16xf32>,
      %mul3A_308 = arith.constant 1024 : i32
      %mul3A_309 = arith.muli %scan3A_10, %mul3A_308 : i32
      %add3A_310 = arith.constant 400 : i32
      %add3A_311 = arith.addi %mul3A_309, %add3A_310 : i32
      %get3A_312 = arith.index_cast %add3A_311 : i32 to index
      %get3A_313 = tpu.vector_load %arg6[%get3A_312] {strides = array<i32>} : memref<16384xi32, #tpu.memory_space<vmem>>, vector<16xi32>,
      %add3A_314 = arith.constant 0 : i32
      %add3A_315 = vector.broadcast %add3A_314 : i32 to vector<16xi32>
      %add3A_316 = arith.addi %get3A_313, %add3A_315 : vector<16xi32>
      %gather3A_317 = tpu.vector_load_idx %arg5[%add3A_316] : memref<2048xf32, #tpu.memory_space<vmem>>[vector<16xi32>], vector<16xf32>,
      %swap3A_318 = arith.constant 400 : index
      %swap3A_319 = tpu.vector_load %arg7[%swap3A_318] {strides = array<i32>} : memref<2048xf32, #tpu.memory_space<vmem>>, vector<16xf32>,
      tpu.vector_store %arg7[%swap3A_318], %gather3A_317 {strides = array<i32>} : memref<2048xf32, #tpu.memory_space<vmem>>, vector<16xf32>,
      %mul3A_320 = arith.constant 1024 : i32
      %mul3A_321 = arith.muli %scan3A_10, %mul3A_320 : i32
      %add3A_322 = arith.constant 416 : i32
      %add3A_323 = arith.addi %mul3A_321, %add3A_322 : i32
      %get3A_324 = arith.index_cast %add3A_323 : i32 to index
      %get3A_325 = tpu.vector_load %arg6[%get3A_324] {strides = array<i32>} : memref<16384xi32, #tpu.memory_space<vmem>>, vector<16xi32>,
      %add3A_326 = arith.constant 0 : i32
      %add3A_327 = vector.broadcast %add3A_326 : i32 to vector<16xi32>
      %add3A_328 = arith.addi %get3A_325, %add3A_327 : vector<16xi32>
      %gather3A_329 = tpu.vector_load_idx %arg5[%add3A_328] : memref<2048xf32, #tpu.memory_space<vmem>>[vector<16xi32>], vector<16xf32>,
      %swap3A_330 = arith.constant 416 : index
      %swap3A_331 = tpu.vector_load %arg7[%swap3A_330] {strides = array<i32>} : memref<2048xf32, #tpu.memory_space<vmem>>, vector<16xf32>,
      tpu.vector_store %arg7[%swap3A_330], %gather3A_329 {strides = array<i32>} : memref<2048xf32, #tpu.memory_space<vmem>>, vector<16xf32>,
      %mul3A_332 = arith.constant 1024 : i32
      %mul3A_333 = arith.muli %scan3A_10, %mul3A_332 : i32
      %add3A_334 = arith.constant 432 : i32
      %add3A_335 = arith.addi %mul3A_333, %add3A_334 : i32
      %get3A_336 = arith.index_cast %add3A_335 : i32 to index
      %get3A_337 = tpu.vector_load %arg6[%get3A_336] {strides = array<i32>} : memref<16384xi32, #tpu.memory_space<vmem>>, vector<16xi32>,
      %add3A_338 = arith.constant 0 : i32
      %add3A_339 = vector.broadcast %add3A_338 : i32 to vector<16xi32>
      %add3A_340 = arith.addi %get3A_337, %add3A_339 : vector<16xi32>
      %gather3A_341 = tpu.vector_load_idx %arg5[%add3A_340] : memref<2048xf32, #tpu.memory_space<vmem>>[vector<16xi32>], vector<16xf32>,
      %swap3A_342 = arith.constant 432 : index
      %swap3A_343 = tpu.vector_load %arg7[%swap3A_342] {strides = array<i32>} : memref<2048xf32, #tpu.memory_space<vmem>>, vector<16xf32>,
      tpu.vector_store %arg7[%swap3A_342], %gather3A_341 {strides = array<i32>} : memref<2048xf32, #tpu.memory_space<vmem>>, vector<16xf32>,
      %mul3A_344 = arith.constant 1024 : i32
      %mul3A_345 = arith.muli %scan3A_10, %mul3A_344 : i32
      %add3A_346 = arith.constant 448 : i32
      %add3A_347 = arith.addi %mul3A_345, %add3A_346 : i32
      %get3A_348 = arith.index_cast %add3A_347 : i32 to index
      %get3A_349 = tpu.vector_load %arg6[%get3A_348] {strides = array<i32>} : memref<16384xi32, #tpu.memory_space<vmem>>, vector<16xi32>,
      %add3A_350 = arith.constant 0 : i32
      %add3A_351 = vector.broadcast %add3A_350 : i32 to vector<16xi32>
      %add3A_352 = arith.addi %get3A_349, %add3A_351 : vector<16xi32>
      %gather3A_353 = tpu.vector_load_idx %arg5[%add3A_352] : memref<2048xf32, #tpu.memory_space<vmem>>[vector<16xi32>], vector<16xf32>,
      %swap3A_354 = arith.constant 448 : index
      %swap3A_355 = tpu.vector_load %arg7[%swap3A_354] {strides = array<i32>} : memref<2048xf32, #tpu.memory_space<vmem>>, vector<16xf32>,
      tpu.vector_store %arg7[%swap3A_354], %gather3A_353 {strides = array<i32>} : memref<2048xf32, #tpu.memory_space<vmem>>, vector<16xf32>,
      %mul3A_356 = arith.constant 1024 : i32
      %mul3A_357 = arith.muli %scan3A_10, %mul3A_356 : i32
      %add3A_358 = arith.constant 464 : i32
      %add3A_359 = arith.addi %mul3A_357, %add3A_358 : i32
      %get3A_360 = arith.index_cast %add3A_359 : i32 to index
      %get3A_361 = tpu.vector_load %arg6[%get3A_360] {strides = array<i32>} : memref<16384xi32, #tpu.memory_space<vmem>>, vector<16xi32>,
      %add3A_362 = arith.constant 0 : i32
      %add3A_363 = vector.broadcast %add3A_362 : i32 to vector<16xi32>
      %add3A_364 = arith.addi %get3A_361, %add3A_363 : vector<16xi32>
      %gather3A_365 = tpu.vector_load_idx %arg5[%add3A_364] : memref<2048xf32, #tpu.memory_space<vmem>>[vector<16xi32>], vector<16xf32>,
      %swap3A_366 = arith.constant 464 : index
      %swap3A_367 = tpu.vector_load %arg7[%swap3A_366] {strides = array<i32>} : memref<2048xf32, #tpu.memory_space<vmem>>, vector<16xf32>,
      tpu.vector_store %arg7[%swap3A_366], %gather3A_365 {strides = array<i32>} : memref<2048xf32, #tpu.memory_space<vmem>>, vector<16xf32>,
      %mul3A_368 = arith.constant 1024 : i32
      %mul3A_369 = arith.muli %scan3A_10, %mul3A_368 : i32
      %add3A_370 = arith.constant 480 : i32
      %add3A_371 = arith.addi %mul3A_369, %add3A_370 : i32
      %get3A_372 = arith.index_cast %add3A_371 : i32 to index
      %get3A_373 = tpu.vector_load %arg6[%get3A_372] {strides = array<i32>} : memref<16384xi32, #tpu.memory_space<vmem>>, vector<16xi32>,
      %add3A_374 = arith.constant 0 : i32
      %add3A_375 = vector.broadcast %add3A_374 : i32 to vector<16xi32>
      %add3A_376 = arith.addi %get3A_373, %add3A_375 : vector<16xi32>
      %gather3A_377 = tpu.vector_load_idx %arg5[%add3A_376] : memref<2048xf32, #tpu.memory_space<vmem>>[vector<16xi32>], vector<16xf32>,
      %swap3A_378 = arith.constant 480 : index
      %swap3A_379 = tpu.vector_load %arg7[%swap3A_378] {strides = array<i32>} : memref<2048xf32, #tpu.memory_space<vmem>>, vector<16xf32>,
      tpu.vector_store %arg7[%swap3A_378], %gather3A_377 {strides = array<i32>} : memref<2048xf32, #tpu.memory_space<vmem>>, vector<16xf32>,
      %mul3A_380 = arith.constant 1024 : i32
      %mul3A_381 = arith.muli %scan3A_10, %mul3A_380 : i32
      %add3A_382 = arith.constant 496 : i32
      %add3A_383 = arith.addi %mul3A_381, %add3A_382 : i32
      %get3A_384 = arith.index_cast %add3A_383 : i32 to index
      %get3A_385 = tpu.vector_load %arg6[%get3A_384] {strides = array<i32>} : memref<16384xi32, #tpu.memory_space<vmem>>, vector<16xi32>,
      %add3A_386 = arith.constant 0 : i32
      %add3A_387 = vector.broadcast %add3A_386 : i32 to vector<16xi32>
      %add3A_388 = arith.addi %get3A_385, %add3A_387 : vector<16xi32>
      %gather3A_389 = tpu.vector_load_idx %arg5[%add3A_388] : memref<2048xf32, #tpu.memory_space<vmem>>[vector<16xi32>], vector<16xf32>,
      %swap3A_390 = arith.constant 496 : index
      %swap3A_391 = tpu.vector_load %arg7[%swap3A_390] {strides = array<i32>} : memref<2048xf32, #tpu.memory_space<vmem>>, vector<16xf32>,
      tpu.vector_store %arg7[%swap3A_390], %gather3A_389 {strides = array<i32>} : memref<2048xf32, #tpu.memory_space<vmem>>, vector<16xf32>,
      %mul3A_392 = arith.constant 1024 : i32
      %mul3A_393 = arith.muli %scan3A_10, %mul3A_392 : i32
      %add3A_394 = arith.constant 512 : i32
      %add3A_395 = arith.addi %mul3A_393, %add3A_394 : i32
      %get3A_396 = arith.index_cast %add3A_395 : i32 to index
      %get3A_397 = tpu.vector_load %arg6[%get3A_396] {strides = array<i32>} : memref<16384xi32, #tpu.memory_space<vmem>>, vector<16xi32>,
      %add3A_398 = arith.constant 0 : i32
      %add3A_399 = vector.broadcast %add3A_398 : i32 to vector<16xi32>
      %add3A_400 = arith.addi %get3A_397, %add3A_399 : vector<16xi32>
      %gather3A_401 = tpu.vector_load_idx %arg5[%add3A_400] : memref<2048xf32, #tpu.memory_space<vmem>>[vector<16xi32>], vector<16xf32>,
      %swap3A_402 = arith.constant 512 : index
      %swap3A_403 = tpu.vector_load %arg7[%swap3A_402] {strides = array<i32>} : memref<2048xf32, #tpu.memory_space<vmem>>, vector<16xf32>,
      tpu.vector_store %arg7[%swap3A_402], %gather3A_401 {strides = array<i32>} : memref<2048xf32, #tpu.memory_space<vmem>>, vector<16xf32>,
      %mul3A_404 = arith.constant 1024 : i32
      %mul3A_405 = arith.muli %scan3A_10, %mul3A_404 : i32
      %add3A_406 = arith.constant 528 : i32
      %add3A_407 = arith.addi %mul3A_405, %add3A_406 : i32
      %get3A_408 = arith.index_cast %add3A_407 : i32 to index
      %get3A_409 = tpu.vector_load %arg6[%get3A_408] {strides = array<i32>} : memref<16384xi32, #tpu.memory_space<vmem>>, vector<16xi32>,
      %add3A_410 = arith.constant 0 : i32
      %add3A_411 = vector.broadcast %add3A_410 : i32 to vector<16xi32>
      %add3A_412 = arith.addi %get3A_409, %add3A_411 : vector<16xi32>
      %gather3A_413 = tpu.vector_load_idx %arg5[%add3A_412] : memref<2048xf32, #tpu.memory_space<vmem>>[vector<16xi32>], vector<16xf32>,
      %swap3A_414 = arith.constant 528 : index
      %swap3A_415 = tpu.vector_load %arg7[%swap3A_414] {strides = array<i32>} : memref<2048xf32, #tpu.memory_space<vmem>>, vector<16xf32>,
      tpu.vector_store %arg7[%swap3A_414], %gather3A_413 {strides = array<i32>} : memref<2048xf32, #tpu.memory_space<vmem>>, vector<16xf32>,
      %mul3A_416 = arith.constant 1024 : i32
      %mul3A_417 = arith.muli %scan3A_10, %mul3A_416 : i32
      %add3A_418 = arith.constant 544 : i32
      %add3A_419 = arith.addi %mul3A_417, %add3A_418 : i32
      %get3A_420 = arith.index_cast %add3A_419 : i32 to index
      %get3A_421 = tpu.vector_load %arg6[%get3A_420] {strides = array<i32>} : memref<16384xi32, #tpu.memory_space<vmem>>, vector<16xi32>,
      %add3A_422 = arith.constant 0 : i32
      %add3A_423 = vector.broadcast %add3A_422 : i32 to vector<16xi32>
      %add3A_424 = arith.addi %get3A_421, %add3A_423 : vector<16xi32>
      %gather3A_425 = tpu.vector_load_idx %arg5[%add3A_424] : memref<2048xf32, #tpu.memory_space<vmem>>[vector<16xi32>], vector<16xf32>,
      %swap3A_426 = arith.constant 544 : index
      %swap3A_427 = tpu.vector_load %arg7[%swap3A_426] {strides = array<i32>} : memref<2048xf32, #tpu.memory_space<vmem>>, vector<16xf32>,
      tpu.vector_store %arg7[%swap3A_426], %gather3A_425 {strides = array<i32>} : memref<2048xf32, #tpu.memory_space<vmem>>, vector<16xf32>,
      %mul3A_428 = arith.constant 1024 : i32
      %mul3A_429 = arith.muli %scan3A_10, %mul3A_428 : i32
      %add3A_430 = arith.constant 560 : i32
      %add3A_431 = arith.addi %mul3A_429, %add3A_430 : i32
      %get3A_432 = arith.index_cast %add3A_431 : i32 to index
      %get3A_433 = tpu.vector_load %arg6[%get3A_432] {strides = array<i32>} : memref<16384xi32, #tpu.memory_space<vmem>>, vector<16xi32>,
      %add3A_434 = arith.constant 0 : i32
      %add3A_435 = vector.broadcast %add3A_434 : i32 to vector<16xi32>
      %add3A_436 = arith.addi %get3A_433, %add3A_435 : vector<16xi32>
      %gather3A_437 = tpu.vector_load_idx %arg5[%add3A_436] : memref<2048xf32, #tpu.memory_space<vmem>>[vector<16xi32>], vector<16xf32>,
      %swap3A_438 = arith.constant 560 : index
      %swap3A_439 = tpu.vector_load %arg7[%swap3A_438] {strides = array<i32>} : memref<2048xf32, #tpu.memory_space<vmem>>, vector<16xf32>,
      tpu.vector_store %arg7[%swap3A_438], %gather3A_437 {strides = array<i32>} : memref<2048xf32, #tpu.memory_space<vmem>>, vector<16xf32>,
      %mul3A_440 = arith.constant 1024 : i32
      %mul3A_441 = arith.muli %scan3A_10, %mul3A_440 : i32
      %add3A_442 = arith.constant 576 : i32
      %add3A_443 = arith.addi %mul3A_441, %add3A_442 : i32
      %get3A_444 = arith.index_cast %add3A_443 : i32 to index
      %get3A_445 = tpu.vector_load %arg6[%get3A_444] {strides = array<i32>} : memref<16384xi32, #tpu.memory_space<vmem>>, vector<16xi32>,
      %add3A_446 = arith.constant 0 : i32
      %add3A_447 = vector.broadcast %add3A_446 : i32 to vector<16xi32>
      %add3A_448 = arith.addi %get3A_445, %add3A_447 : vector<16xi32>
      %gather3A_449 = tpu.vector_load_idx %arg5[%add3A_448] : memref<2048xf32, #tpu.memory_space<vmem>>[vector<16xi32>], vector<16xf32>,
      %swap3A_450 = arith.constant 576 : index
      %swap3A_451 = tpu.vector_load %arg7[%swap3A_450] {strides = array<i32>} : memref<2048xf32, #tpu.memory_space<vmem>>, vector<16xf32>,
      tpu.vector_store %arg7[%swap3A_450], %gather3A_449 {strides = array<i32>} : memref<2048xf32, #tpu.memory_space<vmem>>, vector<16xf32>,
      %mul3A_452 = arith.constant 1024 : i32
      %mul3A_453 = arith.muli %scan3A_10, %mul3A_452 : i32
      %add3A_454 = arith.constant 592 : i32
      %add3A_455 = arith.addi %mul3A_453, %add3A_454 : i32
      %get3A_456 = arith.index_cast %add3A_455 : i32 to index
      %get3A_457 = tpu.vector_load %arg6[%get3A_456] {strides = array<i32>} : memref<16384xi32, #tpu.memory_space<vmem>>, vector<16xi32>,
      %add3A_458 = arith.constant 0 : i32
      %add3A_459 = vector.broadcast %add3A_458 : i32 to vector<16xi32>
      %add3A_460 = arith.addi %get3A_457, %add3A_459 : vector<16xi32>
      %gather3A_461 = tpu.vector_load_idx %arg5[%add3A_460] : memref<2048xf32, #tpu.memory_space<vmem>>[vector<16xi32>], vector<16xf32>,
      %swap3A_462 = arith.constant 592 : index
      %swap3A_463 = tpu.vector_load %arg7[%swap3A_462] {strides = array<i32>} : memref<2048xf32, #tpu.memory_space<vmem>>, vector<16xf32>,
      tpu.vector_store %arg7[%swap3A_462], %gather3A_461 {strides = array<i32>} : memref<2048xf32, #tpu.memory_space<vmem>>, vector<16xf32>,
      %mul3A_464 = arith.constant 1024 : i32
      %mul3A_465 = arith.muli %scan3A_10, %mul3A_464 : i32
      %add3A_466 = arith.constant 608 : i32
      %add3A_467 = arith.addi %mul3A_465, %add3A_466 : i32
      %get3A_468 = arith.index_cast %add3A_467 : i32 to index
      %get3A_469 = tpu.vector_load %arg6[%get3A_468] {strides = array<i32>} : memref<16384xi32, #tpu.memory_space<vmem>>, vector<16xi32>,
      %add3A_470 = arith.constant 0 : i32
      %add3A_471 = vector.broadcast %add3A_470 : i32 to vector<16xi32>
      %add3A_472 = arith.addi %get3A_469, %add3A_471 : vector<16xi32>
      %gather3A_473 = tpu.vector_load_idx %arg5[%add3A_472] : memref<2048xf32, #tpu.memory_space<vmem>>[vector<16xi32>], vector<16xf32>,
      %swap3A_474 = arith.constant 608 : index
      %swap3A_475 = tpu.vector_load %arg7[%swap3A_474] {strides = array<i32>} : memref<2048xf32, #tpu.memory_space<vmem>>, vector<16xf32>,
      tpu.vector_store %arg7[%swap3A_474], %gather3A_473 {strides = array<i32>} : memref<2048xf32, #tpu.memory_space<vmem>>, vector<16xf32>,
      %mul3A_476 = arith.constant 1024 : i32
      %mul3A_477 = arith.muli %scan3A_10, %mul3A_476 : i32
      %add3A_478 = arith.constant 624 : i32
      %add3A_479 = arith.addi %mul3A_477, %add3A_478 : i32
      %get3A_480 = arith.index_cast %add3A_479 : i32 to index
      %get3A_481 = tpu.vector_load %arg6[%get3A_480] {strides = array<i32>} : memref<16384xi32, #tpu.memory_space<vmem>>, vector<16xi32>,
      %add3A_482 = arith.constant 0 : i32
      %add3A_483 = vector.broadcast %add3A_482 : i32 to vector<16xi32>
      %add3A_484 = arith.addi %get3A_481, %add3A_483 : vector<16xi32>
      %gather3A_485 = tpu.vector_load_idx %arg5[%add3A_484] : memref<2048xf32, #tpu.memory_space<vmem>>[vector<16xi32>], vector<16xf32>,
      %swap3A_486 = arith.constant 624 : index
      %swap3A_487 = tpu.vector_load %arg7[%swap3A_486] {strides = array<i32>} : memref<2048xf32, #tpu.memory_space<vmem>>, vector<16xf32>,
      tpu.vector_store %arg7[%swap3A_486], %gather3A_485 {strides = array<i32>} : memref<2048xf32, #tpu.memory_space<vmem>>, vector<16xf32>,
      %mul3A_488 = arith.constant 1024 : i32
      %mul3A_489 = arith.muli %scan3A_10, %mul3A_488 : i32
      %add3A_490 = arith.constant 640 : i32
      %add3A_491 = arith.addi %mul3A_489, %add3A_490 : i32
      %get3A_492 = arith.index_cast %add3A_491 : i32 to index
      %get3A_493 = tpu.vector_load %arg6[%get3A_492] {strides = array<i32>} : memref<16384xi32, #tpu.memory_space<vmem>>, vector<16xi32>,
      %add3A_494 = arith.constant 0 : i32
      %add3A_495 = vector.broadcast %add3A_494 : i32 to vector<16xi32>
      %add3A_496 = arith.addi %get3A_493, %add3A_495 : vector<16xi32>
      %gather3A_497 = tpu.vector_load_idx %arg5[%add3A_496] : memref<2048xf32, #tpu.memory_space<vmem>>[vector<16xi32>], vector<16xf32>,
      %swap3A_498 = arith.constant 640 : index
      %swap3A_499 = tpu.vector_load %arg7[%swap3A_498] {strides = array<i32>} : memref<2048xf32, #tpu.memory_space<vmem>>, vector<16xf32>,
      tpu.vector_store %arg7[%swap3A_498], %gather3A_497 {strides = array<i32>} : memref<2048xf32, #tpu.memory_space<vmem>>, vector<16xf32>,
      %mul3A_500 = arith.constant 1024 : i32
      %mul3A_501 = arith.muli %scan3A_10, %mul3A_500 : i32
      %add3A_502 = arith.constant 656 : i32
      %add3A_503 = arith.addi %mul3A_501, %add3A_502 : i32
      %get3A_504 = arith.index_cast %add3A_503 : i32 to index
      %get3A_505 = tpu.vector_load %arg6[%get3A_504] {strides = array<i32>} : memref<16384xi32, #tpu.memory_space<vmem>>, vector<16xi32>,
      %add3A_506 = arith.constant 0 : i32
      %add3A_507 = vector.broadcast %add3A_506 : i32 to vector<16xi32>
      %add3A_508 = arith.addi %get3A_505, %add3A_507 : vector<16xi32>
      %gather3A_509 = tpu.vector_load_idx %arg5[%add3A_508] : memref<2048xf32, #tpu.memory_space<vmem>>[vector<16xi32>], vector<16xf32>,
      %swap3A_510 = arith.constant 656 : index
      %swap3A_511 = tpu.vector_load %arg7[%swap3A_510] {strides = array<i32>} : memref<2048xf32, #tpu.memory_space<vmem>>, vector<16xf32>,
      tpu.vector_store %arg7[%swap3A_510], %gather3A_509 {strides = array<i32>} : memref<2048xf32, #tpu.memory_space<vmem>>, vector<16xf32>,
      %mul3A_512 = arith.constant 1024 : i32
      %mul3A_513 = arith.muli %scan3A_10, %mul3A_512 : i32
      %add3A_514 = arith.constant 672 : i32
      %add3A_515 = arith.addi %mul3A_513, %add3A_514 : i32
      %get3A_516 = arith.index_cast %add3A_515 : i32 to index
      %get3A_517 = tpu.vector_load %arg6[%get3A_516] {strides = array<i32>} : memref<16384xi32, #tpu.memory_space<vmem>>, vector<16xi32>,
      %add3A_518 = arith.constant 0 : i32
      %add3A_519 = vector.broadcast %add3A_518 : i32 to vector<16xi32>
      %add3A_520 = arith.addi %get3A_517, %add3A_519 : vector<16xi32>
      %gather3A_521 = tpu.vector_load_idx %arg5[%add3A_520] : memref<2048xf32, #tpu.memory_space<vmem>>[vector<16xi32>], vector<16xf32>,
      %swap3A_522 = arith.constant 672 : index
      %swap3A_523 = tpu.vector_load %arg7[%swap3A_522] {strides = array<i32>} : memref<2048xf32, #tpu.memory_space<vmem>>, vector<16xf32>,
      tpu.vector_store %arg7[%swap3A_522], %gather3A_521 {strides = array<i32>} : memref<2048xf32, #tpu.memory_space<vmem>>, vector<16xf32>,
      %mul3A_524 = arith.constant 1024 : i32
      %mul3A_525 = arith.muli %scan3A_10, %mul3A_524 : i32
      %add3A_526 = arith.constant 688 : i32
      %add3A_527 = arith.addi %mul3A_525, %add3A_526 : i32
      %get3A_528 = arith.index_cast %add3A_527 : i32 to index
      %get3A_529 = tpu.vector_load %arg6[%get3A_528] {strides = array<i32>} : memref<16384xi32, #tpu.memory_space<vmem>>, vector<16xi32>,
      %add3A_530 = arith.constant 0 : i32
      %add3A_531 = vector.broadcast %add3A_530 : i32 to vector<16xi32>
      %add3A_532 = arith.addi %get3A_529, %add3A_531 : vector<16xi32>
      %gather3A_533 = tpu.vector_load_idx %arg5[%add3A_532] : memref<2048xf32, #tpu.memory_space<vmem>>[vector<16xi32>], vector<16xf32>,
      %swap3A_534 = arith.constant 688 : index
      %swap3A_535 = tpu.vector_load %arg7[%swap3A_534] {strides = array<i32>} : memref<2048xf32, #tpu.memory_space<vmem>>, vector<16xf32>,
      tpu.vector_store %arg7[%swap3A_534], %gather3A_533 {strides = array<i32>} : memref<2048xf32, #tpu.memory_space<vmem>>, vector<16xf32>,
      %mul3A_536 = arith.constant 1024 : i32
      %mul3A_537 = arith.muli %scan3A_10, %mul3A_536 : i32
      %add3A_538 = arith.constant 704 : i32
      %add3A_539 = arith.addi %mul3A_537, %add3A_538 : i32
      %get3A_540 = arith.index_cast %add3A_539 : i32 to index
      %get3A_541 = tpu.vector_load %arg6[%get3A_540] {strides = array<i32>} : memref<16384xi32, #tpu.memory_space<vmem>>, vector<16xi32>,
      %add3A_542 = arith.constant 0 : i32
      %add3A_543 = vector.broadcast %add3A_542 : i32 to vector<16xi32>
      %add3A_544 = arith.addi %get3A_541, %add3A_543 : vector<16xi32>
      %gather3A_545 = tpu.vector_load_idx %arg5[%add3A_544] : memref<2048xf32, #tpu.memory_space<vmem>>[vector<16xi32>], vector<16xf32>,
      %swap3A_546 = arith.constant 704 : index
      %swap3A_547 = tpu.vector_load %arg7[%swap3A_546] {strides = array<i32>} : memref<2048xf32, #tpu.memory_space<vmem>>, vector<16xf32>,
      tpu.vector_store %arg7[%swap3A_546], %gather3A_545 {strides = array<i32>} : memref<2048xf32, #tpu.memory_space<vmem>>, vector<16xf32>,
      %mul3A_548 = arith.constant 1024 : i32
      %mul3A_549 = arith.muli %scan3A_10, %mul3A_548 : i32
      %add3A_550 = arith.constant 720 : i32
      %add3A_551 = arith.addi %mul3A_549, %add3A_550 : i32
      %get3A_552 = arith.index_cast %add3A_551 : i32 to index
      %get3A_553 = tpu.vector_load %arg6[%get3A_552] {strides = array<i32>} : memref<16384xi32, #tpu.memory_space<vmem>>, vector<16xi32>,
      %add3A_554 = arith.constant 0 : i32
      %add3A_555 = vector.broadcast %add3A_554 : i32 to vector<16xi32>
      %add3A_556 = arith.addi %get3A_553, %add3A_555 : vector<16xi32>
      %gather3A_557 = tpu.vector_load_idx %arg5[%add3A_556] : memref<2048xf32, #tpu.memory_space<vmem>>[vector<16xi32>], vector<16xf32>,
      %swap3A_558 = arith.constant 720 : index
      %swap3A_559 = tpu.vector_load %arg7[%swap3A_558] {strides = array<i32>} : memref<2048xf32, #tpu.memory_space<vmem>>, vector<16xf32>,
      tpu.vector_store %arg7[%swap3A_558], %gather3A_557 {strides = array<i32>} : memref<2048xf32, #tpu.memory_space<vmem>>, vector<16xf32>,
      %mul3A_560 = arith.constant 1024 : i32
      %mul3A_561 = arith.muli %scan3A_10, %mul3A_560 : i32
      %add3A_562 = arith.constant 736 : i32
      %add3A_563 = arith.addi %mul3A_561, %add3A_562 : i32
      %get3A_564 = arith.index_cast %add3A_563 : i32 to index
      %get3A_565 = tpu.vector_load %arg6[%get3A_564] {strides = array<i32>} : memref<16384xi32, #tpu.memory_space<vmem>>, vector<16xi32>,
      %add3A_566 = arith.constant 0 : i32
      %add3A_567 = vector.broadcast %add3A_566 : i32 to vector<16xi32>
      %add3A_568 = arith.addi %get3A_565, %add3A_567 : vector<16xi32>
      %gather3A_569 = tpu.vector_load_idx %arg5[%add3A_568] : memref<2048xf32, #tpu.memory_space<vmem>>[vector<16xi32>], vector<16xf32>,
      %swap3A_570 = arith.constant 736 : index
      %swap3A_571 = tpu.vector_load %arg7[%swap3A_570] {strides = array<i32>} : memref<2048xf32, #tpu.memory_space<vmem>>, vector<16xf32>,
      tpu.vector_store %arg7[%swap3A_570], %gather3A_569 {strides = array<i32>} : memref<2048xf32, #tpu.memory_space<vmem>>, vector<16xf32>,
      %mul3A_572 = arith.constant 1024 : i32
      %mul3A_573 = arith.muli %scan3A_10, %mul3A_572 : i32
      %add3A_574 = arith.constant 752 : i32
      %add3A_575 = arith.addi %mul3A_573, %add3A_574 : i32
      %get3A_576 = arith.index_cast %add3A_575 : i32 to index
      %get3A_577 = tpu.vector_load %arg6[%get3A_576] {strides = array<i32>} : memref<16384xi32, #tpu.memory_space<vmem>>, vector<16xi32>,
      %add3A_578 = arith.constant 0 : i32
      %add3A_579 = vector.broadcast %add3A_578 : i32 to vector<16xi32>
      %add3A_580 = arith.addi %get3A_577, %add3A_579 : vector<16xi32>
      %gather3A_581 = tpu.vector_load_idx %arg5[%add3A_580] : memref<2048xf32, #tpu.memory_space<vmem>>[vector<16xi32>], vector<16xf32>,
      %swap3A_582 = arith.constant 752 : index
      %swap3A_583 = tpu.vector_load %arg7[%swap3A_582] {strides = array<i32>} : memref<2048xf32, #tpu.memory_space<vmem>>, vector<16xf32>,
      tpu.vector_store %arg7[%swap3A_582], %gather3A_581 {strides = array<i32>} : memref<2048xf32, #tpu.memory_space<vmem>>, vector<16xf32>,
      %mul3A_584 = arith.constant 1024 : i32
      %mul3A_585 = arith.muli %scan3A_10, %mul3A_584 : i32
      %add3A_586 = arith.constant 768 : i32
      %add3A_587 = arith.addi %mul3A_585, %add3A_586 : i32
      %get3A_588 = arith.index_cast %add3A_587 : i32 to index
      %get3A_589 = tpu.vector_load %arg6[%get3A_588] {strides = array<i32>} : memref<16384xi32, #tpu.memory_space<vmem>>, vector<16xi32>,
      %add3A_590 = arith.constant 0 : i32
      %add3A_591 = vector.broadcast %add3A_590 : i32 to vector<16xi32>
      %add3A_592 = arith.addi %get3A_589, %add3A_591 : vector<16xi32>
      %gather3A_593 = tpu.vector_load_idx %arg5[%add3A_592] : memref<2048xf32, #tpu.memory_space<vmem>>[vector<16xi32>], vector<16xf32>,
      %swap3A_594 = arith.constant 768 : index
      %swap3A_595 = tpu.vector_load %arg7[%swap3A_594] {strides = array<i32>} : memref<2048xf32, #tpu.memory_space<vmem>>, vector<16xf32>,
      tpu.vector_store %arg7[%swap3A_594], %gather3A_593 {strides = array<i32>} : memref<2048xf32, #tpu.memory_space<vmem>>, vector<16xf32>,
      %mul3A_596 = arith.constant 1024 : i32
      %mul3A_597 = arith.muli %scan3A_10, %mul3A_596 : i32
      %add3A_598 = arith.constant 784 : i32
      %add3A_599 = arith.addi %mul3A_597, %add3A_598 : i32
      %get3A_600 = arith.index_cast %add3A_599 : i32 to index
      %get3A_601 = tpu.vector_load %arg6[%get3A_600] {strides = array<i32>} : memref<16384xi32, #tpu.memory_space<vmem>>, vector<16xi32>,
      %add3A_602 = arith.constant 0 : i32
      %add3A_603 = vector.broadcast %add3A_602 : i32 to vector<16xi32>
      %add3A_604 = arith.addi %get3A_601, %add3A_603 : vector<16xi32>
      %gather3A_605 = tpu.vector_load_idx %arg5[%add3A_604] : memref<2048xf32, #tpu.memory_space<vmem>>[vector<16xi32>], vector<16xf32>,
      %swap3A_606 = arith.constant 784 : index
      %swap3A_607 = tpu.vector_load %arg7[%swap3A_606] {strides = array<i32>} : memref<2048xf32, #tpu.memory_space<vmem>>, vector<16xf32>,
      tpu.vector_store %arg7[%swap3A_606], %gather3A_605 {strides = array<i32>} : memref<2048xf32, #tpu.memory_space<vmem>>, vector<16xf32>,
      %mul3A_608 = arith.constant 1024 : i32
      %mul3A_609 = arith.muli %scan3A_10, %mul3A_608 : i32
      %add3A_610 = arith.constant 800 : i32
      %add3A_611 = arith.addi %mul3A_609, %add3A_610 : i32
      %get3A_612 = arith.index_cast %add3A_611 : i32 to index
      %get3A_613 = tpu.vector_load %arg6[%get3A_612] {strides = array<i32>} : memref<16384xi32, #tpu.memory_space<vmem>>, vector<16xi32>,
      %add3A_614 = arith.constant 0 : i32
      %add3A_615 = vector.broadcast %add3A_614 : i32 to vector<16xi32>
      %add3A_616 = arith.addi %get3A_613, %add3A_615 : vector<16xi32>
      %gather3A_617 = tpu.vector_load_idx %arg5[%add3A_616] : memref<2048xf32, #tpu.memory_space<vmem>>[vector<16xi32>], vector<16xf32>,
      %swap3A_618 = arith.constant 800 : index
      %swap3A_619 = tpu.vector_load %arg7[%swap3A_618] {strides = array<i32>} : memref<2048xf32, #tpu.memory_space<vmem>>, vector<16xf32>,
      tpu.vector_store %arg7[%swap3A_618], %gather3A_617 {strides = array<i32>} : memref<2048xf32, #tpu.memory_space<vmem>>, vector<16xf32>,
      %mul3A_620 = arith.constant 1024 : i32
      %mul3A_621 = arith.muli %scan3A_10, %mul3A_620 : i32
      %add3A_622 = arith.constant 816 : i32
      %add3A_623 = arith.addi %mul3A_621, %add3A_622 : i32
      %get3A_624 = arith.index_cast %add3A_623 : i32 to index
      %get3A_625 = tpu.vector_load %arg6[%get3A_624] {strides = array<i32>} : memref<16384xi32, #tpu.memory_space<vmem>>, vector<16xi32>,
      %add3A_626 = arith.constant 0 : i32
      %add3A_627 = vector.broadcast %add3A_626 : i32 to vector<16xi32>
      %add3A_628 = arith.addi %get3A_625, %add3A_627 : vector<16xi32>
      %gather3A_629 = tpu.vector_load_idx %arg5[%add3A_628] : memref<2048xf32, #tpu.memory_space<vmem>>[vector<16xi32>], vector<16xf32>,
      %swap3A_630 = arith.constant 816 : index
      %swap3A_631 = tpu.vector_load %arg7[%swap3A_630] {strides = array<i32>} : memref<2048xf32, #tpu.memory_space<vmem>>, vector<16xf32>,
      tpu.vector_store %arg7[%swap3A_630], %gather3A_629 {strides = array<i32>} : memref<2048xf32, #tpu.memory_space<vmem>>, vector<16xf32>,
      %mul3A_632 = arith.constant 1024 : i32
      %mul3A_633 = arith.muli %scan3A_10, %mul3A_632 : i32
      %add3A_634 = arith.constant 832 : i32
      %add3A_635 = arith.addi %mul3A_633, %add3A_634 : i32
      %get3A_636 = arith.index_cast %add3A_635 : i32 to index
      %get3A_637 = tpu.vector_load %arg6[%get3A_636] {strides = array<i32>} : memref<16384xi32, #tpu.memory_space<vmem>>, vector<16xi32>,
      %add3A_638 = arith.constant 0 : i32
      %add3A_639 = vector.broadcast %add3A_638 : i32 to vector<16xi32>
      %add3A_640 = arith.addi %get3A_637, %add3A_639 : vector<16xi32>
      %gather3A_641 = tpu.vector_load_idx %arg5[%add3A_640] : memref<2048xf32, #tpu.memory_space<vmem>>[vector<16xi32>], vector<16xf32>,
      %swap3A_642 = arith.constant 832 : index
      %swap3A_643 = tpu.vector_load %arg7[%swap3A_642] {strides = array<i32>} : memref<2048xf32, #tpu.memory_space<vmem>>, vector<16xf32>,
      tpu.vector_store %arg7[%swap3A_642], %gather3A_641 {strides = array<i32>} : memref<2048xf32, #tpu.memory_space<vmem>>, vector<16xf32>,
      %mul3A_644 = arith.constant 1024 : i32
      %mul3A_645 = arith.muli %scan3A_10, %mul3A_644 : i32
      %add3A_646 = arith.constant 848 : i32
      %add3A_647 = arith.addi %mul3A_645, %add3A_646 : i32
      %get3A_648 = arith.index_cast %add3A_647 : i32 to index
      %get3A_649 = tpu.vector_load %arg6[%get3A_648] {strides = array<i32>} : memref<16384xi32, #tpu.memory_space<vmem>>, vector<16xi32>,
      %add3A_650 = arith.constant 0 : i32
      %add3A_651 = vector.broadcast %add3A_650 : i32 to vector<16xi32>
      %add3A_652 = arith.addi %get3A_649, %add3A_651 : vector<16xi32>
      %gather3A_653 = tpu.vector_load_idx %arg5[%add3A_652] : memref<2048xf32, #tpu.memory_space<vmem>>[vector<16xi32>], vector<16xf32>,
      %swap3A_654 = arith.constant 848 : index
      %swap3A_655 = tpu.vector_load %arg7[%swap3A_654] {strides = array<i32>} : memref<2048xf32, #tpu.memory_space<vmem>>, vector<16xf32>,
      tpu.vector_store %arg7[%swap3A_654], %gather3A_653 {strides = array<i32>} : memref<2048xf32, #tpu.memory_space<vmem>>, vector<16xf32>,
      %mul3A_656 = arith.constant 1024 : i32
      %mul3A_657 = arith.muli %scan3A_10, %mul3A_656 : i32
      %add3A_658 = arith.constant 864 : i32
      %add3A_659 = arith.addi %mul3A_657, %add3A_658 : i32
      %get3A_660 = arith.index_cast %add3A_659 : i32 to index
      %get3A_661 = tpu.vector_load %arg6[%get3A_660] {strides = array<i32>} : memref<16384xi32, #tpu.memory_space<vmem>>, vector<16xi32>,
      %add3A_662 = arith.constant 0 : i32
      %add3A_663 = vector.broadcast %add3A_662 : i32 to vector<16xi32>
      %add3A_664 = arith.addi %get3A_661, %add3A_663 : vector<16xi32>
      %gather3A_665 = tpu.vector_load_idx %arg5[%add3A_664] : memref<2048xf32, #tpu.memory_space<vmem>>[vector<16xi32>], vector<16xf32>,
      %swap3A_666 = arith.constant 864 : index
      %swap3A_667 = tpu.vector_load %arg7[%swap3A_666] {strides = array<i32>} : memref<2048xf32, #tpu.memory_space<vmem>>, vector<16xf32>,
      tpu.vector_store %arg7[%swap3A_666], %gather3A_665 {strides = array<i32>} : memref<2048xf32, #tpu.memory_space<vmem>>, vector<16xf32>,
      %mul3A_668 = arith.constant 1024 : i32
      %mul3A_669 = arith.muli %scan3A_10, %mul3A_668 : i32
      %add3A_670 = arith.constant 880 : i32
      %add3A_671 = arith.addi %mul3A_669, %add3A_670 : i32
      %get3A_672 = arith.index_cast %add3A_671 : i32 to index
      %get3A_673 = tpu.vector_load %arg6[%get3A_672] {strides = array<i32>} : memref<16384xi32, #tpu.memory_space<vmem>>, vector<16xi32>,
      %add3A_674 = arith.constant 0 : i32
      %add3A_675 = vector.broadcast %add3A_674 : i32 to vector<16xi32>
      %add3A_676 = arith.addi %get3A_673, %add3A_675 : vector<16xi32>
      %gather3A_677 = tpu.vector_load_idx %arg5[%add3A_676] : memref<2048xf32, #tpu.memory_space<vmem>>[vector<16xi32>], vector<16xf32>,
      %swap3A_678 = arith.constant 880 : index
      %swap3A_679 = tpu.vector_load %arg7[%swap3A_678] {strides = array<i32>} : memref<2048xf32, #tpu.memory_space<vmem>>, vector<16xf32>,
      tpu.vector_store %arg7[%swap3A_678], %gather3A_677 {strides = array<i32>} : memref<2048xf32, #tpu.memory_space<vmem>>, vector<16xf32>,
      %mul3A_680 = arith.constant 1024 : i32
      %mul3A_681 = arith.muli %scan3A_10, %mul3A_680 : i32
      %add3A_682 = arith.constant 896 : i32
      %add3A_683 = arith.addi %mul3A_681, %add3A_682 : i32
      %get3A_684 = arith.index_cast %add3A_683 : i32 to index
      %get3A_685 = tpu.vector_load %arg6[%get3A_684] {strides = array<i32>} : memref<16384xi32, #tpu.memory_space<vmem>>, vector<16xi32>,
      %add3A_686 = arith.constant 0 : i32
      %add3A_687 = vector.broadcast %add3A_686 : i32 to vector<16xi32>
      %add3A_688 = arith.addi %get3A_685, %add3A_687 : vector<16xi32>
      %gather3A_689 = tpu.vector_load_idx %arg5[%add3A_688] : memref<2048xf32, #tpu.memory_space<vmem>>[vector<16xi32>], vector<16xf32>,
      %swap3A_690 = arith.constant 896 : index
      %swap3A_691 = tpu.vector_load %arg7[%swap3A_690] {strides = array<i32>} : memref<2048xf32, #tpu.memory_space<vmem>>, vector<16xf32>,
      tpu.vector_store %arg7[%swap3A_690], %gather3A_689 {strides = array<i32>} : memref<2048xf32, #tpu.memory_space<vmem>>, vector<16xf32>,
      %mul3A_692 = arith.constant 1024 : i32
      %mul3A_693 = arith.muli %scan3A_10, %mul3A_692 : i32
      %add3A_694 = arith.constant 912 : i32
      %add3A_695 = arith.addi %mul3A_693, %add3A_694 : i32
      %get3A_696 = arith.index_cast %add3A_695 : i32 to index
      %get3A_697 = tpu.vector_load %arg6[%get3A_696] {strides = array<i32>} : memref<16384xi32, #tpu.memory_space<vmem>>, vector<16xi32>,
      %add3A_698 = arith.constant 0 : i32
      %add3A_699 = vector.broadcast %add3A_698 : i32 to vector<16xi32>
      %add3A_700 = arith.addi %get3A_697, %add3A_699 : vector<16xi32>
      %gather3A_701 = tpu.vector_load_idx %arg5[%add3A_700] : memref<2048xf32, #tpu.memory_space<vmem>>[vector<16xi32>], vector<16xf32>,
      %swap3A_702 = arith.constant 912 : index
      %swap3A_703 = tpu.vector_load %arg7[%swap3A_702] {strides = array<i32>} : memref<2048xf32, #tpu.memory_space<vmem>>, vector<16xf32>,
      tpu.vector_store %arg7[%swap3A_702], %gather3A_701 {strides = array<i32>} : memref<2048xf32, #tpu.memory_space<vmem>>, vector<16xf32>,
      %mul3A_704 = arith.constant 1024 : i32
      %mul3A_705 = arith.muli %scan3A_10, %mul3A_704 : i32
      %add3A_706 = arith.constant 928 : i32
      %add3A_707 = arith.addi %mul3A_705, %add3A_706 : i32
      %get3A_708 = arith.index_cast %add3A_707 : i32 to index
      %get3A_709 = tpu.vector_load %arg6[%get3A_708] {strides = array<i32>} : memref<16384xi32, #tpu.memory_space<vmem>>, vector<16xi32>,
      %add3A_710 = arith.constant 0 : i32
      %add3A_711 = vector.broadcast %add3A_710 : i32 to vector<16xi32>
      %add3A_712 = arith.addi %get3A_709, %add3A_711 : vector<16xi32>
      %gather3A_713 = tpu.vector_load_idx %arg5[%add3A_712] : memref<2048xf32, #tpu.memory_space<vmem>>[vector<16xi32>], vector<16xf32>,
      %swap3A_714 = arith.constant 928 : index
      %swap3A_715 = tpu.vector_load %arg7[%swap3A_714] {strides = array<i32>} : memref<2048xf32, #tpu.memory_space<vmem>>, vector<16xf32>,
      tpu.vector_store %arg7[%swap3A_714], %gather3A_713 {strides = array<i32>} : memref<2048xf32, #tpu.memory_space<vmem>>, vector<16xf32>,
      %mul3A_716 = arith.constant 1024 : i32
      %mul3A_717 = arith.muli %scan3A_10, %mul3A_716 : i32
      %add3A_718 = arith.constant 944 : i32
      %add3A_719 = arith.addi %mul3A_717, %add3A_718 : i32
      %get3A_720 = arith.index_cast %add3A_719 : i32 to index
      %get3A_721 = tpu.vector_load %arg6[%get3A_720] {strides = array<i32>} : memref<16384xi32, #tpu.memory_space<vmem>>, vector<16xi32>,
      %add3A_722 = arith.constant 0 : i32
      %add3A_723 = vector.broadcast %add3A_722 : i32 to vector<16xi32>
      %add3A_724 = arith.addi %get3A_721, %add3A_723 : vector<16xi32>
      %gather3A_725 = tpu.vector_load_idx %arg5[%add3A_724] : memref<2048xf32, #tpu.memory_space<vmem>>[vector<16xi32>], vector<16xf32>,
      %swap3A_726 = arith.constant 944 : index
      %swap3A_727 = tpu.vector_load %arg7[%swap3A_726] {strides = array<i32>} : memref<2048xf32, #tpu.memory_space<vmem>>, vector<16xf32>,
      tpu.vector_store %arg7[%swap3A_726], %gather3A_725 {strides = array<i32>} : memref<2048xf32, #tpu.memory_space<vmem>>, vector<16xf32>,
      %mul3A_728 = arith.constant 1024 : i32
      %mul3A_729 = arith.muli %scan3A_10, %mul3A_728 : i32
      %add3A_730 = arith.constant 960 : i32
      %add3A_731 = arith.addi %mul3A_729, %add3A_730 : i32
      %get3A_732 = arith.index_cast %add3A_731 : i32 to index
      %get3A_733 = tpu.vector_load %arg6[%get3A_732] {strides = array<i32>} : memref<16384xi32, #tpu.memory_space<vmem>>, vector<16xi32>,
      %add3A_734 = arith.constant 0 : i32
      %add3A_735 = vector.broadcast %add3A_734 : i32 to vector<16xi32>
      %add3A_736 = arith.addi %get3A_733, %add3A_735 : vector<16xi32>
      %gather3A_737 = tpu.vector_load_idx %arg5[%add3A_736] : memref<2048xf32, #tpu.memory_space<vmem>>[vector<16xi32>], vector<16xf32>,
      %swap3A_738 = arith.constant 960 : index
      %swap3A_739 = tpu.vector_load %arg7[%swap3A_738] {strides = array<i32>} : memref<2048xf32, #tpu.memory_space<vmem>>, vector<16xf32>,
      tpu.vector_store %arg7[%swap3A_738], %gather3A_737 {strides = array<i32>} : memref<2048xf32, #tpu.memory_space<vmem>>, vector<16xf32>,
      %mul3A_740 = arith.constant 1024 : i32
      %mul3A_741 = arith.muli %scan3A_10, %mul3A_740 : i32
      %add3A_742 = arith.constant 976 : i32
      %add3A_743 = arith.addi %mul3A_741, %add3A_742 : i32
      %get3A_744 = arith.index_cast %add3A_743 : i32 to index
      %get3A_745 = tpu.vector_load %arg6[%get3A_744] {strides = array<i32>} : memref<16384xi32, #tpu.memory_space<vmem>>, vector<16xi32>,
      %add3A_746 = arith.constant 0 : i32
      %add3A_747 = vector.broadcast %add3A_746 : i32 to vector<16xi32>
      %add3A_748 = arith.addi %get3A_745, %add3A_747 : vector<16xi32>
      %gather3A_749 = tpu.vector_load_idx %arg5[%add3A_748] : memref<2048xf32, #tpu.memory_space<vmem>>[vector<16xi32>], vector<16xf32>,
      %swap3A_750 = arith.constant 976 : index
      %swap3A_751 = tpu.vector_load %arg7[%swap3A_750] {strides = array<i32>} : memref<2048xf32, #tpu.memory_space<vmem>>, vector<16xf32>,
      tpu.vector_store %arg7[%swap3A_750], %gather3A_749 {strides = array<i32>} : memref<2048xf32, #tpu.memory_space<vmem>>, vector<16xf32>,
      %mul3A_752 = arith.constant 1024 : i32
      %mul3A_753 = arith.muli %scan3A_10, %mul3A_752 : i32
      %add3A_754 = arith.constant 992 : i32
      %add3A_755 = arith.addi %mul3A_753, %add3A_754 : i32
      %get3A_756 = arith.index_cast %add3A_755 : i32 to index
      %get3A_757 = tpu.vector_load %arg6[%get3A_756] {strides = array<i32>} : memref<16384xi32, #tpu.memory_space<vmem>>, vector<16xi32>,
      %add3A_758 = arith.constant 0 : i32
      %add3A_759 = vector.broadcast %add3A_758 : i32 to vector<16xi32>
      %add3A_760 = arith.addi %get3A_757, %add3A_759 : vector<16xi32>
      %gather3A_761 = tpu.vector_load_idx %arg5[%add3A_760] : memref<2048xf32, #tpu.memory_space<vmem>>[vector<16xi32>], vector<16xf32>,
      %swap3A_762 = arith.constant 992 : index
      %swap3A_763 = tpu.vector_load %arg7[%swap3A_762] {strides = array<i32>} : memref<2048xf32, #tpu.memory_space<vmem>>, vector<16xf32>,
      tpu.vector_store %arg7[%swap3A_762], %gather3A_761 {strides = array<i32>} : memref<2048xf32, #tpu.memory_space<vmem>>, vector<16xf32>,
      %mul3A_764 = arith.constant 1024 : i32
      %mul3A_765 = arith.muli %scan3A_10, %mul3A_764 : i32
      %add3A_766 = arith.constant 1008 : i32
      %add3A_767 = arith.addi %mul3A_765, %add3A_766 : i32
      %get3A_768 = arith.index_cast %add3A_767 : i32 to index
      %get3A_769 = tpu.vector_load %arg6[%get3A_768] {strides = array<i32>} : memref<16384xi32, #tpu.memory_space<vmem>>, vector<16xi32>,
      %add3A_770 = arith.constant 0 : i32
      %add3A_771 = vector.broadcast %add3A_770 : i32 to vector<16xi32>
      %add3A_772 = arith.addi %get3A_769, %add3A_771 : vector<16xi32>
      %gather3A_773 = tpu.vector_load_idx %arg5[%add3A_772] : memref<2048xf32, #tpu.memory_space<vmem>>[vector<16xi32>], vector<16xf32>,
      %swap3A_774 = arith.constant 1008 : index
      %swap3A_775 = tpu.vector_load %arg7[%swap3A_774] {strides = array<i32>} : memref<2048xf32, #tpu.memory_space<vmem>>, vector<16xf32>,
      tpu.vector_store %arg7[%swap3A_774], %gather3A_773 {strides = array<i32>} : memref<2048xf32, #tpu.memory_space<vmem>>, vector<16xf32>,
      %mul3A_776 = arith.constant 1024 : i32
      %mul3A_777 = arith.muli %scan3A_10, %mul3A_776 : i32
      %add3A_778 = arith.constant 0 : i32
      %add3A_779 = arith.addi %mul3A_777, %add3A_778 : i32
      %get3A_780 = arith.index_cast %add3A_779 : i32 to index
      %get3A_781 = tpu.vector_load %arg6[%get3A_780] {strides = array<i32>} : memref<16384xi32, #tpu.memory_space<vmem>>, vector<16xi32>,
      %add3A_782 = arith.constant 1024 : i32
      %add3A_783 = vector.broadcast %add3A_782 : i32 to vector<16xi32>
      %add3A_784 = arith.addi %get3A_781, %add3A_783 : vector<16xi32>
      %gather3A_785 = tpu.vector_load_idx %arg5[%add3A_784] : memref<2048xf32, #tpu.memory_space<vmem>>[vector<16xi32>], vector<16xf32>,
      %swap3A_786 = arith.constant 1024 : index
      %swap3A_787 = tpu.vector_load %arg7[%swap3A_786] {strides = array<i32>} : memref<2048xf32, #tpu.memory_space<vmem>>, vector<16xf32>,
      tpu.vector_store %arg7[%swap3A_786], %gather3A_785 {strides = array<i32>} : memref<2048xf32, #tpu.memory_space<vmem>>, vector<16xf32>,
      %mul3A_788 = arith.constant 1024 : i32
      %mul3A_789 = arith.muli %scan3A_10, %mul3A_788 : i32
      %add3A_790 = arith.constant 16 : i32
      %add3A_791 = arith.addi %mul3A_789, %add3A_790 : i32
      %get3A_792 = arith.index_cast %add3A_791 : i32 to index
      %get3A_793 = tpu.vector_load %arg6[%get3A_792] {strides = array<i32>} : memref<16384xi32, #tpu.memory_space<vmem>>, vector<16xi32>,
      %add3A_794 = arith.constant 1024 : i32
      %add3A_795 = vector.broadcast %add3A_794 : i32 to vector<16xi32>
      %add3A_796 = arith.addi %get3A_793, %add3A_795 : vector<16xi32>
      %gather3A_797 = tpu.vector_load_idx %arg5[%add3A_796] : memref<2048xf32, #tpu.memory_space<vmem>>[vector<16xi32>], vector<16xf32>,
      %swap3A_798 = arith.constant 1040 : index
      %swap3A_799 = tpu.vector_load %arg7[%swap3A_798] {strides = array<i32>} : memref<2048xf32, #tpu.memory_space<vmem>>, vector<16xf32>,
      tpu.vector_store %arg7[%swap3A_798], %gather3A_797 {strides = array<i32>} : memref<2048xf32, #tpu.memory_space<vmem>>, vector<16xf32>,
      %mul3A_800 = arith.constant 1024 : i32
      %mul3A_801 = arith.muli %scan3A_10, %mul3A_800 : i32
      %add3A_802 = arith.constant 32 : i32
      %add3A_803 = arith.addi %mul3A_801, %add3A_802 : i32
      %get3A_804 = arith.index_cast %add3A_803 : i32 to index
      %get3A_805 = tpu.vector_load %arg6[%get3A_804] {strides = array<i32>} : memref<16384xi32, #tpu.memory_space<vmem>>, vector<16xi32>,
      %add3A_806 = arith.constant 1024 : i32
      %add3A_807 = vector.broadcast %add3A_806 : i32 to vector<16xi32>
      %add3A_808 = arith.addi %get3A_805, %add3A_807 : vector<16xi32>
      %gather3A_809 = tpu.vector_load_idx %arg5[%add3A_808] : memref<2048xf32, #tpu.memory_space<vmem>>[vector<16xi32>], vector<16xf32>,
      %swap3A_810 = arith.constant 1056 : index
      %swap3A_811 = tpu.vector_load %arg7[%swap3A_810] {strides = array<i32>} : memref<2048xf32, #tpu.memory_space<vmem>>, vector<16xf32>,
      tpu.vector_store %arg7[%swap3A_810], %gather3A_809 {strides = array<i32>} : memref<2048xf32, #tpu.memory_space<vmem>>, vector<16xf32>,
      %mul3A_812 = arith.constant 1024 : i32
      %mul3A_813 = arith.muli %scan3A_10, %mul3A_812 : i32
      %add3A_814 = arith.constant 48 : i32
      %add3A_815 = arith.addi %mul3A_813, %add3A_814 : i32
      %get3A_816 = arith.index_cast %add3A_815 : i32 to index
      %get3A_817 = tpu.vector_load %arg6[%get3A_816] {strides = array<i32>} : memref<16384xi32, #tpu.memory_space<vmem>>, vector<16xi32>,
      %add3A_818 = arith.constant 1024 : i32
      %add3A_819 = vector.broadcast %add3A_818 : i32 to vector<16xi32>
      %add3A_820 = arith.addi %get3A_817, %add3A_819 : vector<16xi32>
      %gather3A_821 = tpu.vector_load_idx %arg5[%add3A_820] : memref<2048xf32, #tpu.memory_space<vmem>>[vector<16xi32>], vector<16xf32>,
      %swap3A_822 = arith.constant 1072 : index
      %swap3A_823 = tpu.vector_load %arg7[%swap3A_822] {strides = array<i32>} : memref<2048xf32, #tpu.memory_space<vmem>>, vector<16xf32>,
      tpu.vector_store %arg7[%swap3A_822], %gather3A_821 {strides = array<i32>} : memref<2048xf32, #tpu.memory_space<vmem>>, vector<16xf32>,
      %mul3A_824 = arith.constant 1024 : i32
      %mul3A_825 = arith.muli %scan3A_10, %mul3A_824 : i32
      %add3A_826 = arith.constant 64 : i32
      %add3A_827 = arith.addi %mul3A_825, %add3A_826 : i32
      %get3A_828 = arith.index_cast %add3A_827 : i32 to index
      %get3A_829 = tpu.vector_load %arg6[%get3A_828] {strides = array<i32>} : memref<16384xi32, #tpu.memory_space<vmem>>, vector<16xi32>,
      %add3A_830 = arith.constant 1024 : i32
      %add3A_831 = vector.broadcast %add3A_830 : i32 to vector<16xi32>
      %add3A_832 = arith.addi %get3A_829, %add3A_831 : vector<16xi32>
      %gather3A_833 = tpu.vector_load_idx %arg5[%add3A_832] : memref<2048xf32, #tpu.memory_space<vmem>>[vector<16xi32>], vector<16xf32>,
      %swap3A_834 = arith.constant 1088 : index
      %swap3A_835 = tpu.vector_load %arg7[%swap3A_834] {strides = array<i32>} : memref<2048xf32, #tpu.memory_space<vmem>>, vector<16xf32>,
      tpu.vector_store %arg7[%swap3A_834], %gather3A_833 {strides = array<i32>} : memref<2048xf32, #tpu.memory_space<vmem>>, vector<16xf32>,
      %mul3A_836 = arith.constant 1024 : i32
      %mul3A_837 = arith.muli %scan3A_10, %mul3A_836 : i32
      %add3A_838 = arith.constant 80 : i32
      %add3A_839 = arith.addi %mul3A_837, %add3A_838 : i32
      %get3A_840 = arith.index_cast %add3A_839 : i32 to index
      %get3A_841 = tpu.vector_load %arg6[%get3A_840] {strides = array<i32>} : memref<16384xi32, #tpu.memory_space<vmem>>, vector<16xi32>,
      %add3A_842 = arith.constant 1024 : i32
      %add3A_843 = vector.broadcast %add3A_842 : i32 to vector<16xi32>
      %add3A_844 = arith.addi %get3A_841, %add3A_843 : vector<16xi32>
      %gather3A_845 = tpu.vector_load_idx %arg5[%add3A_844] : memref<2048xf32, #tpu.memory_space<vmem>>[vector<16xi32>], vector<16xf32>,
      %swap3A_846 = arith.constant 1104 : index
      %swap3A_847 = tpu.vector_load %arg7[%swap3A_846] {strides = array<i32>} : memref<2048xf32, #tpu.memory_space<vmem>>, vector<16xf32>,
      tpu.vector_store %arg7[%swap3A_846], %gather3A_845 {strides = array<i32>} : memref<2048xf32, #tpu.memory_space<vmem>>, vector<16xf32>,
      %mul3A_848 = arith.constant 1024 : i32
      %mul3A_849 = arith.muli %scan3A_10, %mul3A_848 : i32
      %add3A_850 = arith.constant 96 : i32
      %add3A_851 = arith.addi %mul3A_849, %add3A_850 : i32
      %get3A_852 = arith.index_cast %add3A_851 : i32 to index
      %get3A_853 = tpu.vector_load %arg6[%get3A_852] {strides = array<i32>} : memref<16384xi32, #tpu.memory_space<vmem>>, vector<16xi32>,
      %add3A_854 = arith.constant 1024 : i32
      %add3A_855 = vector.broadcast %add3A_854 : i32 to vector<16xi32>
      %add3A_856 = arith.addi %get3A_853, %add3A_855 : vector<16xi32>
      %gather3A_857 = tpu.vector_load_idx %arg5[%add3A_856] : memref<2048xf32, #tpu.memory_space<vmem>>[vector<16xi32>], vector<16xf32>,
      %swap3A_858 = arith.constant 1120 : index
      %swap3A_859 = tpu.vector_load %arg7[%swap3A_858] {strides = array<i32>} : memref<2048xf32, #tpu.memory_space<vmem>>, vector<16xf32>,
      tpu.vector_store %arg7[%swap3A_858], %gather3A_857 {strides = array<i32>} : memref<2048xf32, #tpu.memory_space<vmem>>, vector<16xf32>,
      %mul3A_860 = arith.constant 1024 : i32
      %mul3A_861 = arith.muli %scan3A_10, %mul3A_860 : i32
      %add3A_862 = arith.constant 112 : i32
      %add3A_863 = arith.addi %mul3A_861, %add3A_862 : i32
      %get3A_864 = arith.index_cast %add3A_863 : i32 to index
      %get3A_865 = tpu.vector_load %arg6[%get3A_864] {strides = array<i32>} : memref<16384xi32, #tpu.memory_space<vmem>>, vector<16xi32>,
      %add3A_866 = arith.constant 1024 : i32
      %add3A_867 = vector.broadcast %add3A_866 : i32 to vector<16xi32>
      %add3A_868 = arith.addi %get3A_865, %add3A_867 : vector<16xi32>
      %gather3A_869 = tpu.vector_load_idx %arg5[%add3A_868] : memref<2048xf32, #tpu.memory_space<vmem>>[vector<16xi32>], vector<16xf32>,
      %swap3A_870 = arith.constant 1136 : index
      %swap3A_871 = tpu.vector_load %arg7[%swap3A_870] {strides = array<i32>} : memref<2048xf32, #tpu.memory_space<vmem>>, vector<16xf32>,
      tpu.vector_store %arg7[%swap3A_870], %gather3A_869 {strides = array<i32>} : memref<2048xf32, #tpu.memory_space<vmem>>, vector<16xf32>,
      %mul3A_872 = arith.constant 1024 : i32
      %mul3A_873 = arith.muli %scan3A_10, %mul3A_872 : i32
      %add3A_874 = arith.constant 128 : i32
      %add3A_875 = arith.addi %mul3A_873, %add3A_874 : i32
      %get3A_876 = arith.index_cast %add3A_875 : i32 to index
      %get3A_877 = tpu.vector_load %arg6[%get3A_876] {strides = array<i32>} : memref<16384xi32, #tpu.memory_space<vmem>>, vector<16xi32>,
      %add3A_878 = arith.constant 1024 : i32
      %add3A_879 = vector.broadcast %add3A_878 : i32 to vector<16xi32>
      %add3A_880 = arith.addi %get3A_877, %add3A_879 : vector<16xi32>
      %gather3A_881 = tpu.vector_load_idx %arg5[%add3A_880] : memref<2048xf32, #tpu.memory_space<vmem>>[vector<16xi32>], vector<16xf32>,
      %swap3A_882 = arith.constant 1152 : index
      %swap3A_883 = tpu.vector_load %arg7[%swap3A_882] {strides = array<i32>} : memref<2048xf32, #tpu.memory_space<vmem>>, vector<16xf32>,
      tpu.vector_store %arg7[%swap3A_882], %gather3A_881 {strides = array<i32>} : memref<2048xf32, #tpu.memory_space<vmem>>, vector<16xf32>,
      %mul3A_884 = arith.constant 1024 : i32
      %mul3A_885 = arith.muli %scan3A_10, %mul3A_884 : i32
      %add3A_886 = arith.constant 144 : i32
      %add3A_887 = arith.addi %mul3A_885, %add3A_886 : i32
      %get3A_888 = arith.index_cast %add3A_887 : i32 to index
      %get3A_889 = tpu.vector_load %arg6[%get3A_888] {strides = array<i32>} : memref<16384xi32, #tpu.memory_space<vmem>>, vector<16xi32>,
      %add3A_890 = arith.constant 1024 : i32
      %add3A_891 = vector.broadcast %add3A_890 : i32 to vector<16xi32>
      %add3A_892 = arith.addi %get3A_889, %add3A_891 : vector<16xi32>
      %gather3A_893 = tpu.vector_load_idx %arg5[%add3A_892] : memref<2048xf32, #tpu.memory_space<vmem>>[vector<16xi32>], vector<16xf32>,
      %swap3A_894 = arith.constant 1168 : index
      %swap3A_895 = tpu.vector_load %arg7[%swap3A_894] {strides = array<i32>} : memref<2048xf32, #tpu.memory_space<vmem>>, vector<16xf32>,
      tpu.vector_store %arg7[%swap3A_894], %gather3A_893 {strides = array<i32>} : memref<2048xf32, #tpu.memory_space<vmem>>, vector<16xf32>,
      %mul3A_896 = arith.constant 1024 : i32
      %mul3A_897 = arith.muli %scan3A_10, %mul3A_896 : i32
      %add3A_898 = arith.constant 160 : i32
      %add3A_899 = arith.addi %mul3A_897, %add3A_898 : i32
      %get3A_900 = arith.index_cast %add3A_899 : i32 to index
      %get3A_901 = tpu.vector_load %arg6[%get3A_900] {strides = array<i32>} : memref<16384xi32, #tpu.memory_space<vmem>>, vector<16xi32>,
      %add3A_902 = arith.constant 1024 : i32
      %add3A_903 = vector.broadcast %add3A_902 : i32 to vector<16xi32>
      %add3A_904 = arith.addi %get3A_901, %add3A_903 : vector<16xi32>
      %gather3A_905 = tpu.vector_load_idx %arg5[%add3A_904] : memref<2048xf32, #tpu.memory_space<vmem>>[vector<16xi32>], vector<16xf32>,
      %swap3A_906 = arith.constant 1184 : index
      %swap3A_907 = tpu.vector_load %arg7[%swap3A_906] {strides = array<i32>} : memref<2048xf32, #tpu.memory_space<vmem>>, vector<16xf32>,
      tpu.vector_store %arg7[%swap3A_906], %gather3A_905 {strides = array<i32>} : memref<2048xf32, #tpu.memory_space<vmem>>, vector<16xf32>,
      %mul3A_908 = arith.constant 1024 : i32
      %mul3A_909 = arith.muli %scan3A_10, %mul3A_908 : i32
      %add3A_910 = arith.constant 176 : i32
      %add3A_911 = arith.addi %mul3A_909, %add3A_910 : i32
      %get3A_912 = arith.index_cast %add3A_911 : i32 to index
      %get3A_913 = tpu.vector_load %arg6[%get3A_912] {strides = array<i32>} : memref<16384xi32, #tpu.memory_space<vmem>>, vector<16xi32>,
      %add3A_914 = arith.constant 1024 : i32
      %add3A_915 = vector.broadcast %add3A_914 : i32 to vector<16xi32>
      %add3A_916 = arith.addi %get3A_913, %add3A_915 : vector<16xi32>
      %gather3A_917 = tpu.vector_load_idx %arg5[%add3A_916] : memref<2048xf32, #tpu.memory_space<vmem>>[vector<16xi32>], vector<16xf32>,
      %swap3A_918 = arith.constant 1200 : index
      %swap3A_919 = tpu.vector_load %arg7[%swap3A_918] {strides = array<i32>} : memref<2048xf32, #tpu.memory_space<vmem>>, vector<16xf32>,
      tpu.vector_store %arg7[%swap3A_918], %gather3A_917 {strides = array<i32>} : memref<2048xf32, #tpu.memory_space<vmem>>, vector<16xf32>,
      %mul3A_920 = arith.constant 1024 : i32
      %mul3A_921 = arith.muli %scan3A_10, %mul3A_920 : i32
      %add3A_922 = arith.constant 192 : i32
      %add3A_923 = arith.addi %mul3A_921, %add3A_922 : i32
      %get3A_924 = arith.index_cast %add3A_923 : i32 to index
      %get3A_925 = tpu.vector_load %arg6[%get3A_924] {strides = array<i32>} : memref<16384xi32, #tpu.memory_space<vmem>>, vector<16xi32>,
      %add3A_926 = arith.constant 1024 : i32
      %add3A_927 = vector.broadcast %add3A_926 : i32 to vector<16xi32>
      %add3A_928 = arith.addi %get3A_925, %add3A_927 : vector<16xi32>
      %gather3A_929 = tpu.vector_load_idx %arg5[%add3A_928] : memref<2048xf32, #tpu.memory_space<vmem>>[vector<16xi32>], vector<16xf32>,
      %swap3A_930 = arith.constant 1216 : index
      %swap3A_931 = tpu.vector_load %arg7[%swap3A_930] {strides = array<i32>} : memref<2048xf32, #tpu.memory_space<vmem>>, vector<16xf32>,
      tpu.vector_store %arg7[%swap3A_930], %gather3A_929 {strides = array<i32>} : memref<2048xf32, #tpu.memory_space<vmem>>, vector<16xf32>,
      %mul3A_932 = arith.constant 1024 : i32
      %mul3A_933 = arith.muli %scan3A_10, %mul3A_932 : i32
      %add3A_934 = arith.constant 208 : i32
      %add3A_935 = arith.addi %mul3A_933, %add3A_934 : i32
      %get3A_936 = arith.index_cast %add3A_935 : i32 to index
      %get3A_937 = tpu.vector_load %arg6[%get3A_936] {strides = array<i32>} : memref<16384xi32, #tpu.memory_space<vmem>>, vector<16xi32>,
      %add3A_938 = arith.constant 1024 : i32
      %add3A_939 = vector.broadcast %add3A_938 : i32 to vector<16xi32>
      %add3A_940 = arith.addi %get3A_937, %add3A_939 : vector<16xi32>
      %gather3A_941 = tpu.vector_load_idx %arg5[%add3A_940] : memref<2048xf32, #tpu.memory_space<vmem>>[vector<16xi32>], vector<16xf32>,
      %swap3A_942 = arith.constant 1232 : index
      %swap3A_943 = tpu.vector_load %arg7[%swap3A_942] {strides = array<i32>} : memref<2048xf32, #tpu.memory_space<vmem>>, vector<16xf32>,
      tpu.vector_store %arg7[%swap3A_942], %gather3A_941 {strides = array<i32>} : memref<2048xf32, #tpu.memory_space<vmem>>, vector<16xf32>,
      %mul3A_944 = arith.constant 1024 : i32
      %mul3A_945 = arith.muli %scan3A_10, %mul3A_944 : i32
      %add3A_946 = arith.constant 224 : i32
      %add3A_947 = arith.addi %mul3A_945, %add3A_946 : i32
      %get3A_948 = arith.index_cast %add3A_947 : i32 to index
      %get3A_949 = tpu.vector_load %arg6[%get3A_948] {strides = array<i32>} : memref<16384xi32, #tpu.memory_space<vmem>>, vector<16xi32>,
      %add3A_950 = arith.constant 1024 : i32
      %add3A_951 = vector.broadcast %add3A_950 : i32 to vector<16xi32>
      %add3A_952 = arith.addi %get3A_949, %add3A_951 : vector<16xi32>
      %gather3A_953 = tpu.vector_load_idx %arg5[%add3A_952] : memref<2048xf32, #tpu.memory_space<vmem>>[vector<16xi32>], vector<16xf32>,
      %swap3A_954 = arith.constant 1248 : index
      %swap3A_955 = tpu.vector_load %arg7[%swap3A_954] {strides = array<i32>} : memref<2048xf32, #tpu.memory_space<vmem>>, vector<16xf32>,
      tpu.vector_store %arg7[%swap3A_954], %gather3A_953 {strides = array<i32>} : memref<2048xf32, #tpu.memory_space<vmem>>, vector<16xf32>,
      %mul3A_956 = arith.constant 1024 : i32
      %mul3A_957 = arith.muli %scan3A_10, %mul3A_956 : i32
      %add3A_958 = arith.constant 240 : i32
      %add3A_959 = arith.addi %mul3A_957, %add3A_958 : i32
      %get3A_960 = arith.index_cast %add3A_959 : i32 to index
      %get3A_961 = tpu.vector_load %arg6[%get3A_960] {strides = array<i32>} : memref<16384xi32, #tpu.memory_space<vmem>>, vector<16xi32>,
      %add3A_962 = arith.constant 1024 : i32
      %add3A_963 = vector.broadcast %add3A_962 : i32 to vector<16xi32>
      %add3A_964 = arith.addi %get3A_961, %add3A_963 : vector<16xi32>
      %gather3A_965 = tpu.vector_load_idx %arg5[%add3A_964] : memref<2048xf32, #tpu.memory_space<vmem>>[vector<16xi32>], vector<16xf32>,
      %swap3A_966 = arith.constant 1264 : index
      %swap3A_967 = tpu.vector_load %arg7[%swap3A_966] {strides = array<i32>} : memref<2048xf32, #tpu.memory_space<vmem>>, vector<16xf32>,
      tpu.vector_store %arg7[%swap3A_966], %gather3A_965 {strides = array<i32>} : memref<2048xf32, #tpu.memory_space<vmem>>, vector<16xf32>,
      %mul3A_968 = arith.constant 1024 : i32
      %mul3A_969 = arith.muli %scan3A_10, %mul3A_968 : i32
      %add3A_970 = arith.constant 256 : i32
      %add3A_971 = arith.addi %mul3A_969, %add3A_970 : i32
      %get3A_972 = arith.index_cast %add3A_971 : i32 to index
      %get3A_973 = tpu.vector_load %arg6[%get3A_972] {strides = array<i32>} : memref<16384xi32, #tpu.memory_space<vmem>>, vector<16xi32>,
      %add3A_974 = arith.constant 1024 : i32
      %add3A_975 = vector.broadcast %add3A_974 : i32 to vector<16xi32>
      %add3A_976 = arith.addi %get3A_973, %add3A_975 : vector<16xi32>
      %gather3A_977 = tpu.vector_load_idx %arg5[%add3A_976] : memref<2048xf32, #tpu.memory_space<vmem>>[vector<16xi32>], vector<16xf32>,
      %swap3A_978 = arith.constant 1280 : index
      %swap3A_979 = tpu.vector_load %arg7[%swap3A_978] {strides = array<i32>} : memref<2048xf32, #tpu.memory_space<vmem>>, vector<16xf32>,
      tpu.vector_store %arg7[%swap3A_978], %gather3A_977 {strides = array<i32>} : memref<2048xf32, #tpu.memory_space<vmem>>, vector<16xf32>,
      %mul3A_980 = arith.constant 1024 : i32
      %mul3A_981 = arith.muli %scan3A_10, %mul3A_980 : i32
      %add3A_982 = arith.constant 272 : i32
      %add3A_983 = arith.addi %mul3A_981, %add3A_982 : i32
      %get3A_984 = arith.index_cast %add3A_983 : i32 to index
      %get3A_985 = tpu.vector_load %arg6[%get3A_984] {strides = array<i32>} : memref<16384xi32, #tpu.memory_space<vmem>>, vector<16xi32>,
      %add3A_986 = arith.constant 1024 : i32
      %add3A_987 = vector.broadcast %add3A_986 : i32 to vector<16xi32>
      %add3A_988 = arith.addi %get3A_985, %add3A_987 : vector<16xi32>
      %gather3A_989 = tpu.vector_load_idx %arg5[%add3A_988] : memref<2048xf32, #tpu.memory_space<vmem>>[vector<16xi32>], vector<16xf32>,
      %swap3A_990 = arith.constant 1296 : index
      %swap3A_991 = tpu.vector_load %arg7[%swap3A_990] {strides = array<i32>} : memref<2048xf32, #tpu.memory_space<vmem>>, vector<16xf32>,
      tpu.vector_store %arg7[%swap3A_990], %gather3A_989 {strides = array<i32>} : memref<2048xf32, #tpu.memory_space<vmem>>, vector<16xf32>,
      %mul3A_992 = arith.constant 1024 : i32
      %mul3A_993 = arith.muli %scan3A_10, %mul3A_992 : i32
      %add3A_994 = arith.constant 288 : i32
      %add3A_995 = arith.addi %mul3A_993, %add3A_994 : i32
      %get3A_996 = arith.index_cast %add3A_995 : i32 to index
      %get3A_997 = tpu.vector_load %arg6[%get3A_996] {strides = array<i32>} : memref<16384xi32, #tpu.memory_space<vmem>>, vector<16xi32>,
      %add3A_998 = arith.constant 1024 : i32
      %add3A_999 = vector.broadcast %add3A_998 : i32 to vector<16xi32>
      %add3A_1000 = arith.addi %get3A_997, %add3A_999 : vector<16xi32>
      %gather3A_1001 = tpu.vector_load_idx %arg5[%add3A_1000] : memref<2048xf32, #tpu.memory_space<vmem>>[vector<16xi32>], vector<16xf32>,
      %swap3A_1002 = arith.constant 1312 : index
      %swap3A_1003 = tpu.vector_load %arg7[%swap3A_1002] {strides = array<i32>} : memref<2048xf32, #tpu.memory_space<vmem>>, vector<16xf32>,
      tpu.vector_store %arg7[%swap3A_1002], %gather3A_1001 {strides = array<i32>} : memref<2048xf32, #tpu.memory_space<vmem>>, vector<16xf32>,
      %mul3A_1004 = arith.constant 1024 : i32
      %mul3A_1005 = arith.muli %scan3A_10, %mul3A_1004 : i32
      %add3A_1006 = arith.constant 304 : i32
      %add3A_1007 = arith.addi %mul3A_1005, %add3A_1006 : i32
      %get3A_1008 = arith.index_cast %add3A_1007 : i32 to index
      %get3A_1009 = tpu.vector_load %arg6[%get3A_1008] {strides = array<i32>} : memref<16384xi32, #tpu.memory_space<vmem>>, vector<16xi32>,
      %add3A_1010 = arith.constant 1024 : i32
      %add3A_1011 = vector.broadcast %add3A_1010 : i32 to vector<16xi32>
      %add3A_1012 = arith.addi %get3A_1009, %add3A_1011 : vector<16xi32>
      %gather3A_1013 = tpu.vector_load_idx %arg5[%add3A_1012] : memref<2048xf32, #tpu.memory_space<vmem>>[vector<16xi32>], vector<16xf32>,
      %swap3A_1014 = arith.constant 1328 : index
      %swap3A_1015 = tpu.vector_load %arg7[%swap3A_1014] {strides = array<i32>} : memref<2048xf32, #tpu.memory_space<vmem>>, vector<16xf32>,
      tpu.vector_store %arg7[%swap3A_1014], %gather3A_1013 {strides = array<i32>} : memref<2048xf32, #tpu.memory_space<vmem>>, vector<16xf32>,
      %mul3A_1016 = arith.constant 1024 : i32
      %mul3A_1017 = arith.muli %scan3A_10, %mul3A_1016 : i32
      %add3A_1018 = arith.constant 320 : i32
      %add3A_1019 = arith.addi %mul3A_1017, %add3A_1018 : i32
      %get3A_1020 = arith.index_cast %add3A_1019 : i32 to index
      %get3A_1021 = tpu.vector_load %arg6[%get3A_1020] {strides = array<i32>} : memref<16384xi32, #tpu.memory_space<vmem>>, vector<16xi32>,
      %add3A_1022 = arith.constant 1024 : i32
      %add3A_1023 = vector.broadcast %add3A_1022 : i32 to vector<16xi32>
      %add3A_1024 = arith.addi %get3A_1021, %add3A_1023 : vector<16xi32>
      %gather3A_1025 = tpu.vector_load_idx %arg5[%add3A_1024] : memref<2048xf32, #tpu.memory_space<vmem>>[vector<16xi32>], vector<16xf32>,
      %swap3A_1026 = arith.constant 1344 : index
      %swap3A_1027 = tpu.vector_load %arg7[%swap3A_1026] {strides = array<i32>} : memref<2048xf32, #tpu.memory_space<vmem>>, vector<16xf32>,
      tpu.vector_store %arg7[%swap3A_1026], %gather3A_1025 {strides = array<i32>} : memref<2048xf32, #tpu.memory_space<vmem>>, vector<16xf32>,
      %mul3A_1028 = arith.constant 1024 : i32
      %mul3A_1029 = arith.muli %scan3A_10, %mul3A_1028 : i32
      %add3A_1030 = arith.constant 336 : i32
      %add3A_1031 = arith.addi %mul3A_1029, %add3A_1030 : i32
      %get3A_1032 = arith.index_cast %add3A_1031 : i32 to index
      %get3A_1033 = tpu.vector_load %arg6[%get3A_1032] {strides = array<i32>} : memref<16384xi32, #tpu.memory_space<vmem>>, vector<16xi32>,
      %add3A_1034 = arith.constant 1024 : i32
      %add3A_1035 = vector.broadcast %add3A_1034 : i32 to vector<16xi32>
      %add3A_1036 = arith.addi %get3A_1033, %add3A_1035 : vector<16xi32>
      %gather3A_1037 = tpu.vector_load_idx %arg5[%add3A_1036] : memref<2048xf32, #tpu.memory_space<vmem>>[vector<16xi32>], vector<16xf32>,
      %swap3A_1038 = arith.constant 1360 : index
      %swap3A_1039 = tpu.vector_load %arg7[%swap3A_1038] {strides = array<i32>} : memref<2048xf32, #tpu.memory_space<vmem>>, vector<16xf32>,
      tpu.vector_store %arg7[%swap3A_1038], %gather3A_1037 {strides = array<i32>} : memref<2048xf32, #tpu.memory_space<vmem>>, vector<16xf32>,
      %mul3A_1040 = arith.constant 1024 : i32
      %mul3A_1041 = arith.muli %scan3A_10, %mul3A_1040 : i32
      %add3A_1042 = arith.constant 352 : i32
      %add3A_1043 = arith.addi %mul3A_1041, %add3A_1042 : i32
      %get3A_1044 = arith.index_cast %add3A_1043 : i32 to index
      %get3A_1045 = tpu.vector_load %arg6[%get3A_1044] {strides = array<i32>} : memref<16384xi32, #tpu.memory_space<vmem>>, vector<16xi32>,
      %add3A_1046 = arith.constant 1024 : i32
      %add3A_1047 = vector.broadcast %add3A_1046 : i32 to vector<16xi32>
      %add3A_1048 = arith.addi %get3A_1045, %add3A_1047 : vector<16xi32>
      %gather3A_1049 = tpu.vector_load_idx %arg5[%add3A_1048] : memref<2048xf32, #tpu.memory_space<vmem>>[vector<16xi32>], vector<16xf32>,
      %swap3A_1050 = arith.constant 1376 : index
      %swap3A_1051 = tpu.vector_load %arg7[%swap3A_1050] {strides = array<i32>} : memref<2048xf32, #tpu.memory_space<vmem>>, vector<16xf32>,
      tpu.vector_store %arg7[%swap3A_1050], %gather3A_1049 {strides = array<i32>} : memref<2048xf32, #tpu.memory_space<vmem>>, vector<16xf32>,
      %mul3A_1052 = arith.constant 1024 : i32
      %mul3A_1053 = arith.muli %scan3A_10, %mul3A_1052 : i32
      %add3A_1054 = arith.constant 368 : i32
      %add3A_1055 = arith.addi %mul3A_1053, %add3A_1054 : i32
      %get3A_1056 = arith.index_cast %add3A_1055 : i32 to index
      %get3A_1057 = tpu.vector_load %arg6[%get3A_1056] {strides = array<i32>} : memref<16384xi32, #tpu.memory_space<vmem>>, vector<16xi32>,
      %add3A_1058 = arith.constant 1024 : i32
      %add3A_1059 = vector.broadcast %add3A_1058 : i32 to vector<16xi32>
      %add3A_1060 = arith.addi %get3A_1057, %add3A_1059 : vector<16xi32>
      %gather3A_1061 = tpu.vector_load_idx %arg5[%add3A_1060] : memref<2048xf32, #tpu.memory_space<vmem>>[vector<16xi32>], vector<16xf32>,
      %swap3A_1062 = arith.constant 1392 : index
      %swap3A_1063 = tpu.vector_load %arg7[%swap3A_1062] {strides = array<i32>} : memref<2048xf32, #tpu.memory_space<vmem>>, vector<16xf32>,
      tpu.vector_store %arg7[%swap3A_1062], %gather3A_1061 {strides = array<i32>} : memref<2048xf32, #tpu.memory_space<vmem>>, vector<16xf32>,
      %mul3A_1064 = arith.constant 1024 : i32
      %mul3A_1065 = arith.muli %scan3A_10, %mul3A_1064 : i32
      %add3A_1066 = arith.constant 384 : i32
      %add3A_1067 = arith.addi %mul3A_1065, %add3A_1066 : i32
      %get3A_1068 = arith.index_cast %add3A_1067 : i32 to index
      %get3A_1069 = tpu.vector_load %arg6[%get3A_1068] {strides = array<i32>} : memref<16384xi32, #tpu.memory_space<vmem>>, vector<16xi32>,
      %add3A_1070 = arith.constant 1024 : i32
      %add3A_1071 = vector.broadcast %add3A_1070 : i32 to vector<16xi32>
      %add3A_1072 = arith.addi %get3A_1069, %add3A_1071 : vector<16xi32>
      %gather3A_1073 = tpu.vector_load_idx %arg5[%add3A_1072] : memref<2048xf32, #tpu.memory_space<vmem>>[vector<16xi32>], vector<16xf32>,
      %swap3A_1074 = arith.constant 1408 : index
      %swap3A_1075 = tpu.vector_load %arg7[%swap3A_1074] {strides = array<i32>} : memref<2048xf32, #tpu.memory_space<vmem>>, vector<16xf32>,
      tpu.vector_store %arg7[%swap3A_1074], %gather3A_1073 {strides = array<i32>} : memref<2048xf32, #tpu.memory_space<vmem>>, vector<16xf32>,
      %mul3A_1076 = arith.constant 1024 : i32
      %mul3A_1077 = arith.muli %scan3A_10, %mul3A_1076 : i32
      %add3A_1078 = arith.constant 400 : i32
      %add3A_1079 = arith.addi %mul3A_1077, %add3A_1078 : i32
      %get3A_1080 = arith.index_cast %add3A_1079 : i32 to index
      %get3A_1081 = tpu.vector_load %arg6[%get3A_1080] {strides = array<i32>} : memref<16384xi32, #tpu.memory_space<vmem>>, vector<16xi32>,
      %add3A_1082 = arith.constant 1024 : i32
      %add3A_1083 = vector.broadcast %add3A_1082 : i32 to vector<16xi32>
      %add3A_1084 = arith.addi %get3A_1081, %add3A_1083 : vector<16xi32>
      %gather3A_1085 = tpu.vector_load_idx %arg5[%add3A_1084] : memref<2048xf32, #tpu.memory_space<vmem>>[vector<16xi32>], vector<16xf32>,
      %swap3A_1086 = arith.constant 1424 : index
      %swap3A_1087 = tpu.vector_load %arg7[%swap3A_1086] {strides = array<i32>} : memref<2048xf32, #tpu.memory_space<vmem>>, vector<16xf32>,
      tpu.vector_store %arg7[%swap3A_1086], %gather3A_1085 {strides = array<i32>} : memref<2048xf32, #tpu.memory_space<vmem>>, vector<16xf32>,
      %mul3A_1088 = arith.constant 1024 : i32
      %mul3A_1089 = arith.muli %scan3A_10, %mul3A_1088 : i32
      %add3A_1090 = arith.constant 416 : i32
      %add3A_1091 = arith.addi %mul3A_1089, %add3A_1090 : i32
      %get3A_1092 = arith.index_cast %add3A_1091 : i32 to index
      %get3A_1093 = tpu.vector_load %arg6[%get3A_1092] {strides = array<i32>} : memref<16384xi32, #tpu.memory_space<vmem>>, vector<16xi32>,
      %add3A_1094 = arith.constant 1024 : i32
      %add3A_1095 = vector.broadcast %add3A_1094 : i32 to vector<16xi32>
      %add3A_1096 = arith.addi %get3A_1093, %add3A_1095 : vector<16xi32>
      %gather3A_1097 = tpu.vector_load_idx %arg5[%add3A_1096] : memref<2048xf32, #tpu.memory_space<vmem>>[vector<16xi32>], vector<16xf32>,
      %swap3A_1098 = arith.constant 1440 : index
      %swap3A_1099 = tpu.vector_load %arg7[%swap3A_1098] {strides = array<i32>} : memref<2048xf32, #tpu.memory_space<vmem>>, vector<16xf32>,
      tpu.vector_store %arg7[%swap3A_1098], %gather3A_1097 {strides = array<i32>} : memref<2048xf32, #tpu.memory_space<vmem>>, vector<16xf32>,
      %mul3A_1100 = arith.constant 1024 : i32
      %mul3A_1101 = arith.muli %scan3A_10, %mul3A_1100 : i32
      %add3A_1102 = arith.constant 432 : i32
      %add3A_1103 = arith.addi %mul3A_1101, %add3A_1102 : i32
      %get3A_1104 = arith.index_cast %add3A_1103 : i32 to index
      %get3A_1105 = tpu.vector_load %arg6[%get3A_1104] {strides = array<i32>} : memref<16384xi32, #tpu.memory_space<vmem>>, vector<16xi32>,
      %add3A_1106 = arith.constant 1024 : i32
      %add3A_1107 = vector.broadcast %add3A_1106 : i32 to vector<16xi32>
      %add3A_1108 = arith.addi %get3A_1105, %add3A_1107 : vector<16xi32>
      %gather3A_1109 = tpu.vector_load_idx %arg5[%add3A_1108] : memref<2048xf32, #tpu.memory_space<vmem>>[vector<16xi32>], vector<16xf32>,
      %swap3A_1110 = arith.constant 1456 : index
      %swap3A_1111 = tpu.vector_load %arg7[%swap3A_1110] {strides = array<i32>} : memref<2048xf32, #tpu.memory_space<vmem>>, vector<16xf32>,
      tpu.vector_store %arg7[%swap3A_1110], %gather3A_1109 {strides = array<i32>} : memref<2048xf32, #tpu.memory_space<vmem>>, vector<16xf32>,
      %mul3A_1112 = arith.constant 1024 : i32
      %mul3A_1113 = arith.muli %scan3A_10, %mul3A_1112 : i32
      %add3A_1114 = arith.constant 448 : i32
      %add3A_1115 = arith.addi %mul3A_1113, %add3A_1114 : i32
      %get3A_1116 = arith.index_cast %add3A_1115 : i32 to index
      %get3A_1117 = tpu.vector_load %arg6[%get3A_1116] {strides = array<i32>} : memref<16384xi32, #tpu.memory_space<vmem>>, vector<16xi32>,
      %add3A_1118 = arith.constant 1024 : i32
      %add3A_1119 = vector.broadcast %add3A_1118 : i32 to vector<16xi32>
      %add3A_1120 = arith.addi %get3A_1117, %add3A_1119 : vector<16xi32>
      %gather3A_1121 = tpu.vector_load_idx %arg5[%add3A_1120] : memref<2048xf32, #tpu.memory_space<vmem>>[vector<16xi32>], vector<16xf32>,
      %swap3A_1122 = arith.constant 1472 : index
      %swap3A_1123 = tpu.vector_load %arg7[%swap3A_1122] {strides = array<i32>} : memref<2048xf32, #tpu.memory_space<vmem>>, vector<16xf32>,
      tpu.vector_store %arg7[%swap3A_1122], %gather3A_1121 {strides = array<i32>} : memref<2048xf32, #tpu.memory_space<vmem>>, vector<16xf32>,
      %mul3A_1124 = arith.constant 1024 : i32
      %mul3A_1125 = arith.muli %scan3A_10, %mul3A_1124 : i32
      %add3A_1126 = arith.constant 464 : i32
      %add3A_1127 = arith.addi %mul3A_1125, %add3A_1126 : i32
      %get3A_1128 = arith.index_cast %add3A_1127 : i32 to index
      %get3A_1129 = tpu.vector_load %arg6[%get3A_1128] {strides = array<i32>} : memref<16384xi32, #tpu.memory_space<vmem>>, vector<16xi32>,
      %add3A_1130 = arith.constant 1024 : i32
      %add3A_1131 = vector.broadcast %add3A_1130 : i32 to vector<16xi32>
      %add3A_1132 = arith.addi %get3A_1129, %add3A_1131 : vector<16xi32>
      %gather3A_1133 = tpu.vector_load_idx %arg5[%add3A_1132] : memref<2048xf32, #tpu.memory_space<vmem>>[vector<16xi32>], vector<16xf32>,
      %swap3A_1134 = arith.constant 1488 : index
      %swap3A_1135 = tpu.vector_load %arg7[%swap3A_1134] {strides = array<i32>} : memref<2048xf32, #tpu.memory_space<vmem>>, vector<16xf32>,
      tpu.vector_store %arg7[%swap3A_1134], %gather3A_1133 {strides = array<i32>} : memref<2048xf32, #tpu.memory_space<vmem>>, vector<16xf32>,
      %mul3A_1136 = arith.constant 1024 : i32
      %mul3A_1137 = arith.muli %scan3A_10, %mul3A_1136 : i32
      %add3A_1138 = arith.constant 480 : i32
      %add3A_1139 = arith.addi %mul3A_1137, %add3A_1138 : i32
      %get3A_1140 = arith.index_cast %add3A_1139 : i32 to index
      %get3A_1141 = tpu.vector_load %arg6[%get3A_1140] {strides = array<i32>} : memref<16384xi32, #tpu.memory_space<vmem>>, vector<16xi32>,
      %add3A_1142 = arith.constant 1024 : i32
      %add3A_1143 = vector.broadcast %add3A_1142 : i32 to vector<16xi32>
      %add3A_1144 = arith.addi %get3A_1141, %add3A_1143 : vector<16xi32>
      %gather3A_1145 = tpu.vector_load_idx %arg5[%add3A_1144] : memref<2048xf32, #tpu.memory_space<vmem>>[vector<16xi32>], vector<16xf32>,
      %swap3A_1146 = arith.constant 1504 : index
      %swap3A_1147 = tpu.vector_load %arg7[%swap3A_1146] {strides = array<i32>} : memref<2048xf32, #tpu.memory_space<vmem>>, vector<16xf32>,
      tpu.vector_store %arg7[%swap3A_1146], %gather3A_1145 {strides = array<i32>} : memref<2048xf32, #tpu.memory_space<vmem>>, vector<16xf32>,
      %mul3A_1148 = arith.constant 1024 : i32
      %mul3A_1149 = arith.muli %scan3A_10, %mul3A_1148 : i32
      %add3A_1150 = arith.constant 496 : i32
      %add3A_1151 = arith.addi %mul3A_1149, %add3A_1150 : i32
      %get3A_1152 = arith.index_cast %add3A_1151 : i32 to index
      %get3A_1153 = tpu.vector_load %arg6[%get3A_1152] {strides = array<i32>} : memref<16384xi32, #tpu.memory_space<vmem>>, vector<16xi32>,
      %add3A_1154 = arith.constant 1024 : i32
      %add3A_1155 = vector.broadcast %add3A_1154 : i32 to vector<16xi32>
      %add3A_1156 = arith.addi %get3A_1153, %add3A_1155 : vector<16xi32>
      %gather3A_1157 = tpu.vector_load_idx %arg5[%add3A_1156] : memref<2048xf32, #tpu.memory_space<vmem>>[vector<16xi32>], vector<16xf32>,
      %swap3A_1158 = arith.constant 1520 : index
      %swap3A_1159 = tpu.vector_load %arg7[%swap3A_1158] {strides = array<i32>} : memref<2048xf32, #tpu.memory_space<vmem>>, vector<16xf32>,
      tpu.vector_store %arg7[%swap3A_1158], %gather3A_1157 {strides = array<i32>} : memref<2048xf32, #tpu.memory_space<vmem>>, vector<16xf32>,
      %mul3A_1160 = arith.constant 1024 : i32
      %mul3A_1161 = arith.muli %scan3A_10, %mul3A_1160 : i32
      %add3A_1162 = arith.constant 512 : i32
      %add3A_1163 = arith.addi %mul3A_1161, %add3A_1162 : i32
      %get3A_1164 = arith.index_cast %add3A_1163 : i32 to index
      %get3A_1165 = tpu.vector_load %arg6[%get3A_1164] {strides = array<i32>} : memref<16384xi32, #tpu.memory_space<vmem>>, vector<16xi32>,
      %add3A_1166 = arith.constant 1024 : i32
      %add3A_1167 = vector.broadcast %add3A_1166 : i32 to vector<16xi32>
      %add3A_1168 = arith.addi %get3A_1165, %add3A_1167 : vector<16xi32>
      %gather3A_1169 = tpu.vector_load_idx %arg5[%add3A_1168] : memref<2048xf32, #tpu.memory_space<vmem>>[vector<16xi32>], vector<16xf32>,
      %swap3A_1170 = arith.constant 1536 : index
      %swap3A_1171 = tpu.vector_load %arg7[%swap3A_1170] {strides = array<i32>} : memref<2048xf32, #tpu.memory_space<vmem>>, vector<16xf32>,
      tpu.vector_store %arg7[%swap3A_1170], %gather3A_1169 {strides = array<i32>} : memref<2048xf32, #tpu.memory_space<vmem>>, vector<16xf32>,
      %mul3A_1172 = arith.constant 1024 : i32
      %mul3A_1173 = arith.muli %scan3A_10, %mul3A_1172 : i32
      %add3A_1174 = arith.constant 528 : i32
      %add3A_1175 = arith.addi %mul3A_1173, %add3A_1174 : i32
      %get3A_1176 = arith.index_cast %add3A_1175 : i32 to index
      %get3A_1177 = tpu.vector_load %arg6[%get3A_1176] {strides = array<i32>} : memref<16384xi32, #tpu.memory_space<vmem>>, vector<16xi32>,
      %add3A_1178 = arith.constant 1024 : i32
      %add3A_1179 = vector.broadcast %add3A_1178 : i32 to vector<16xi32>
      %add3A_1180 = arith.addi %get3A_1177, %add3A_1179 : vector<16xi32>
      %gather3A_1181 = tpu.vector_load_idx %arg5[%add3A_1180] : memref<2048xf32, #tpu.memory_space<vmem>>[vector<16xi32>], vector<16xf32>,
      %swap3A_1182 = arith.constant 1552 : index
      %swap3A_1183 = tpu.vector_load %arg7[%swap3A_1182] {strides = array<i32>} : memref<2048xf32, #tpu.memory_space<vmem>>, vector<16xf32>,
      tpu.vector_store %arg7[%swap3A_1182], %gather3A_1181 {strides = array<i32>} : memref<2048xf32, #tpu.memory_space<vmem>>, vector<16xf32>,
      %mul3A_1184 = arith.constant 1024 : i32
      %mul3A_1185 = arith.muli %scan3A_10, %mul3A_1184 : i32
      %add3A_1186 = arith.constant 544 : i32
      %add3A_1187 = arith.addi %mul3A_1185, %add3A_1186 : i32
      %get3A_1188 = arith.index_cast %add3A_1187 : i32 to index
      %get3A_1189 = tpu.vector_load %arg6[%get3A_1188] {strides = array<i32>} : memref<16384xi32, #tpu.memory_space<vmem>>, vector<16xi32>,
      %add3A_1190 = arith.constant 1024 : i32
      %add3A_1191 = vector.broadcast %add3A_1190 : i32 to vector<16xi32>
      %add3A_1192 = arith.addi %get3A_1189, %add3A_1191 : vector<16xi32>
      %gather3A_1193 = tpu.vector_load_idx %arg5[%add3A_1192] : memref<2048xf32, #tpu.memory_space<vmem>>[vector<16xi32>], vector<16xf32>,
      %swap3A_1194 = arith.constant 1568 : index
      %swap3A_1195 = tpu.vector_load %arg7[%swap3A_1194] {strides = array<i32>} : memref<2048xf32, #tpu.memory_space<vmem>>, vector<16xf32>,
      tpu.vector_store %arg7[%swap3A_1194], %gather3A_1193 {strides = array<i32>} : memref<2048xf32, #tpu.memory_space<vmem>>, vector<16xf32>,
      %mul3A_1196 = arith.constant 1024 : i32
      %mul3A_1197 = arith.muli %scan3A_10, %mul3A_1196 : i32
      %add3A_1198 = arith.constant 560 : i32
      %add3A_1199 = arith.addi %mul3A_1197, %add3A_1198 : i32
      %get3A_1200 = arith.index_cast %add3A_1199 : i32 to index
      %get3A_1201 = tpu.vector_load %arg6[%get3A_1200] {strides = array<i32>} : memref<16384xi32, #tpu.memory_space<vmem>>, vector<16xi32>,
      %add3A_1202 = arith.constant 1024 : i32
      %add3A_1203 = vector.broadcast %add3A_1202 : i32 to vector<16xi32>
      %add3A_1204 = arith.addi %get3A_1201, %add3A_1203 : vector<16xi32>
      %gather3A_1205 = tpu.vector_load_idx %arg5[%add3A_1204] : memref<2048xf32, #tpu.memory_space<vmem>>[vector<16xi32>], vector<16xf32>,
      %swap3A_1206 = arith.constant 1584 : index
      %swap3A_1207 = tpu.vector_load %arg7[%swap3A_1206] {strides = array<i32>} : memref<2048xf32, #tpu.memory_space<vmem>>, vector<16xf32>,
      tpu.vector_store %arg7[%swap3A_1206], %gather3A_1205 {strides = array<i32>} : memref<2048xf32, #tpu.memory_space<vmem>>, vector<16xf32>,
      %mul3A_1208 = arith.constant 1024 : i32
      %mul3A_1209 = arith.muli %scan3A_10, %mul3A_1208 : i32
      %add3A_1210 = arith.constant 576 : i32
      %add3A_1211 = arith.addi %mul3A_1209, %add3A_1210 : i32
      %get3A_1212 = arith.index_cast %add3A_1211 : i32 to index
      %get3A_1213 = tpu.vector_load %arg6[%get3A_1212] {strides = array<i32>} : memref<16384xi32, #tpu.memory_space<vmem>>, vector<16xi32>,
      %add3A_1214 = arith.constant 1024 : i32
      %add3A_1215 = vector.broadcast %add3A_1214 : i32 to vector<16xi32>
      %add3A_1216 = arith.addi %get3A_1213, %add3A_1215 : vector<16xi32>
      %gather3A_1217 = tpu.vector_load_idx %arg5[%add3A_1216] : memref<2048xf32, #tpu.memory_space<vmem>>[vector<16xi32>], vector<16xf32>,
      %swap3A_1218 = arith.constant 1600 : index
      %swap3A_1219 = tpu.vector_load %arg7[%swap3A_1218] {strides = array<i32>} : memref<2048xf32, #tpu.memory_space<vmem>>, vector<16xf32>,
      tpu.vector_store %arg7[%swap3A_1218], %gather3A_1217 {strides = array<i32>} : memref<2048xf32, #tpu.memory_space<vmem>>, vector<16xf32>,
      %mul3A_1220 = arith.constant 1024 : i32
      %mul3A_1221 = arith.muli %scan3A_10, %mul3A_1220 : i32
      %add3A_1222 = arith.constant 592 : i32
      %add3A_1223 = arith.addi %mul3A_1221, %add3A_1222 : i32
      %get3A_1224 = arith.index_cast %add3A_1223 : i32 to index
      %get3A_1225 = tpu.vector_load %arg6[%get3A_1224] {strides = array<i32>} : memref<16384xi32, #tpu.memory_space<vmem>>, vector<16xi32>,
      %add3A_1226 = arith.constant 1024 : i32
      %add3A_1227 = vector.broadcast %add3A_1226 : i32 to vector<16xi32>
      %add3A_1228 = arith.addi %get3A_1225, %add3A_1227 : vector<16xi32>
      %gather3A_1229 = tpu.vector_load_idx %arg5[%add3A_1228] : memref<2048xf32, #tpu.memory_space<vmem>>[vector<16xi32>], vector<16xf32>,
      %swap3A_1230 = arith.constant 1616 : index
      %swap3A_1231 = tpu.vector_load %arg7[%swap3A_1230] {strides = array<i32>} : memref<2048xf32, #tpu.memory_space<vmem>>, vector<16xf32>,
      tpu.vector_store %arg7[%swap3A_1230], %gather3A_1229 {strides = array<i32>} : memref<2048xf32, #tpu.memory_space<vmem>>, vector<16xf32>,
      %mul3A_1232 = arith.constant 1024 : i32
      %mul3A_1233 = arith.muli %scan3A_10, %mul3A_1232 : i32
      %add3A_1234 = arith.constant 608 : i32
      %add3A_1235 = arith.addi %mul3A_1233, %add3A_1234 : i32
      %get3A_1236 = arith.index_cast %add3A_1235 : i32 to index
      %get3A_1237 = tpu.vector_load %arg6[%get3A_1236] {strides = array<i32>} : memref<16384xi32, #tpu.memory_space<vmem>>, vector<16xi32>,
      %add3A_1238 = arith.constant 1024 : i32
      %add3A_1239 = vector.broadcast %add3A_1238 : i32 to vector<16xi32>
      %add3A_1240 = arith.addi %get3A_1237, %add3A_1239 : vector<16xi32>
      %gather3A_1241 = tpu.vector_load_idx %arg5[%add3A_1240] : memref<2048xf32, #tpu.memory_space<vmem>>[vector<16xi32>], vector<16xf32>,
      %swap3A_1242 = arith.constant 1632 : index
      %swap3A_1243 = tpu.vector_load %arg7[%swap3A_1242] {strides = array<i32>} : memref<2048xf32, #tpu.memory_space<vmem>>, vector<16xf32>,
      tpu.vector_store %arg7[%swap3A_1242], %gather3A_1241 {strides = array<i32>} : memref<2048xf32, #tpu.memory_space<vmem>>, vector<16xf32>,
      %mul3A_1244 = arith.constant 1024 : i32
      %mul3A_1245 = arith.muli %scan3A_10, %mul3A_1244 : i32
      %add3A_1246 = arith.constant 624 : i32
      %add3A_1247 = arith.addi %mul3A_1245, %add3A_1246 : i32
      %get3A_1248 = arith.index_cast %add3A_1247 : i32 to index
      %get3A_1249 = tpu.vector_load %arg6[%get3A_1248] {strides = array<i32>} : memref<16384xi32, #tpu.memory_space<vmem>>, vector<16xi32>,
      %add3A_1250 = arith.constant 1024 : i32
      %add3A_1251 = vector.broadcast %add3A_1250 : i32 to vector<16xi32>
      %add3A_1252 = arith.addi %get3A_1249, %add3A_1251 : vector<16xi32>
      %gather3A_1253 = tpu.vector_load_idx %arg5[%add3A_1252] : memref<2048xf32, #tpu.memory_space<vmem>>[vector<16xi32>], vector<16xf32>,
      %swap3A_1254 = arith.constant 1648 : index
      %swap3A_1255 = tpu.vector_load %arg7[%swap3A_1254] {strides = array<i32>} : memref<2048xf32, #tpu.memory_space<vmem>>, vector<16xf32>,
      tpu.vector_store %arg7[%swap3A_1254], %gather3A_1253 {strides = array<i32>} : memref<2048xf32, #tpu.memory_space<vmem>>, vector<16xf32>,
      %mul3A_1256 = arith.constant 1024 : i32
      %mul3A_1257 = arith.muli %scan3A_10, %mul3A_1256 : i32
      %add3A_1258 = arith.constant 640 : i32
      %add3A_1259 = arith.addi %mul3A_1257, %add3A_1258 : i32
      %get3A_1260 = arith.index_cast %add3A_1259 : i32 to index
      %get3A_1261 = tpu.vector_load %arg6[%get3A_1260] {strides = array<i32>} : memref<16384xi32, #tpu.memory_space<vmem>>, vector<16xi32>,
      %add3A_1262 = arith.constant 1024 : i32
      %add3A_1263 = vector.broadcast %add3A_1262 : i32 to vector<16xi32>
      %add3A_1264 = arith.addi %get3A_1261, %add3A_1263 : vector<16xi32>
      %gather3A_1265 = tpu.vector_load_idx %arg5[%add3A_1264] : memref<2048xf32, #tpu.memory_space<vmem>>[vector<16xi32>], vector<16xf32>,
      %swap3A_1266 = arith.constant 1664 : index
      %swap3A_1267 = tpu.vector_load %arg7[%swap3A_1266] {strides = array<i32>} : memref<2048xf32, #tpu.memory_space<vmem>>, vector<16xf32>,
      tpu.vector_store %arg7[%swap3A_1266], %gather3A_1265 {strides = array<i32>} : memref<2048xf32, #tpu.memory_space<vmem>>, vector<16xf32>,
      %mul3A_1268 = arith.constant 1024 : i32
      %mul3A_1269 = arith.muli %scan3A_10, %mul3A_1268 : i32
      %add3A_1270 = arith.constant 656 : i32
      %add3A_1271 = arith.addi %mul3A_1269, %add3A_1270 : i32
      %get3A_1272 = arith.index_cast %add3A_1271 : i32 to index
      %get3A_1273 = tpu.vector_load %arg6[%get3A_1272] {strides = array<i32>} : memref<16384xi32, #tpu.memory_space<vmem>>, vector<16xi32>,
      %add3A_1274 = arith.constant 1024 : i32
      %add3A_1275 = vector.broadcast %add3A_1274 : i32 to vector<16xi32>
      %add3A_1276 = arith.addi %get3A_1273, %add3A_1275 : vector<16xi32>
      %gather3A_1277 = tpu.vector_load_idx %arg5[%add3A_1276] : memref<2048xf32, #tpu.memory_space<vmem>>[vector<16xi32>], vector<16xf32>,
      %swap3A_1278 = arith.constant 1680 : index
      %swap3A_1279 = tpu.vector_load %arg7[%swap3A_1278] {strides = array<i32>} : memref<2048xf32, #tpu.memory_space<vmem>>, vector<16xf32>,
      tpu.vector_store %arg7[%swap3A_1278], %gather3A_1277 {strides = array<i32>} : memref<2048xf32, #tpu.memory_space<vmem>>, vector<16xf32>,
      %mul3A_1280 = arith.constant 1024 : i32
      %mul3A_1281 = arith.muli %scan3A_10, %mul3A_1280 : i32
      %add3A_1282 = arith.constant 672 : i32
      %add3A_1283 = arith.addi %mul3A_1281, %add3A_1282 : i32
      %get3A_1284 = arith.index_cast %add3A_1283 : i32 to index
      %get3A_1285 = tpu.vector_load %arg6[%get3A_1284] {strides = array<i32>} : memref<16384xi32, #tpu.memory_space<vmem>>, vector<16xi32>,
      %add3A_1286 = arith.constant 1024 : i32
      %add3A_1287 = vector.broadcast %add3A_1286 : i32 to vector<16xi32>
      %add3A_1288 = arith.addi %get3A_1285, %add3A_1287 : vector<16xi32>
      %gather3A_1289 = tpu.vector_load_idx %arg5[%add3A_1288] : memref<2048xf32, #tpu.memory_space<vmem>>[vector<16xi32>], vector<16xf32>,
      %swap3A_1290 = arith.constant 1696 : index
      %swap3A_1291 = tpu.vector_load %arg7[%swap3A_1290] {strides = array<i32>} : memref<2048xf32, #tpu.memory_space<vmem>>, vector<16xf32>,
      tpu.vector_store %arg7[%swap3A_1290], %gather3A_1289 {strides = array<i32>} : memref<2048xf32, #tpu.memory_space<vmem>>, vector<16xf32>,
      %mul3A_1292 = arith.constant 1024 : i32
      %mul3A_1293 = arith.muli %scan3A_10, %mul3A_1292 : i32
      %add3A_1294 = arith.constant 688 : i32
      %add3A_1295 = arith.addi %mul3A_1293, %add3A_1294 : i32
      %get3A_1296 = arith.index_cast %add3A_1295 : i32 to index
      %get3A_1297 = tpu.vector_load %arg6[%get3A_1296] {strides = array<i32>} : memref<16384xi32, #tpu.memory_space<vmem>>, vector<16xi32>,
      %add3A_1298 = arith.constant 1024 : i32
      %add3A_1299 = vector.broadcast %add3A_1298 : i32 to vector<16xi32>
      %add3A_1300 = arith.addi %get3A_1297, %add3A_1299 : vector<16xi32>
      %gather3A_1301 = tpu.vector_load_idx %arg5[%add3A_1300] : memref<2048xf32, #tpu.memory_space<vmem>>[vector<16xi32>], vector<16xf32>,
      %swap3A_1302 = arith.constant 1712 : index
      %swap3A_1303 = tpu.vector_load %arg7[%swap3A_1302] {strides = array<i32>} : memref<2048xf32, #tpu.memory_space<vmem>>, vector<16xf32>,
      tpu.vector_store %arg7[%swap3A_1302], %gather3A_1301 {strides = array<i32>} : memref<2048xf32, #tpu.memory_space<vmem>>, vector<16xf32>,
      %mul3A_1304 = arith.constant 1024 : i32
      %mul3A_1305 = arith.muli %scan3A_10, %mul3A_1304 : i32
      %add3A_1306 = arith.constant 704 : i32
      %add3A_1307 = arith.addi %mul3A_1305, %add3A_1306 : i32
      %get3A_1308 = arith.index_cast %add3A_1307 : i32 to index
      %get3A_1309 = tpu.vector_load %arg6[%get3A_1308] {strides = array<i32>} : memref<16384xi32, #tpu.memory_space<vmem>>, vector<16xi32>,
      %add3A_1310 = arith.constant 1024 : i32
      %add3A_1311 = vector.broadcast %add3A_1310 : i32 to vector<16xi32>
      %add3A_1312 = arith.addi %get3A_1309, %add3A_1311 : vector<16xi32>
      %gather3A_1313 = tpu.vector_load_idx %arg5[%add3A_1312] : memref<2048xf32, #tpu.memory_space<vmem>>[vector<16xi32>], vector<16xf32>,
      %swap3A_1314 = arith.constant 1728 : index
      %swap3A_1315 = tpu.vector_load %arg7[%swap3A_1314] {strides = array<i32>} : memref<2048xf32, #tpu.memory_space<vmem>>, vector<16xf32>,
      tpu.vector_store %arg7[%swap3A_1314], %gather3A_1313 {strides = array<i32>} : memref<2048xf32, #tpu.memory_space<vmem>>, vector<16xf32>,
      %mul3A_1316 = arith.constant 1024 : i32
      %mul3A_1317 = arith.muli %scan3A_10, %mul3A_1316 : i32
      %add3A_1318 = arith.constant 720 : i32
      %add3A_1319 = arith.addi %mul3A_1317, %add3A_1318 : i32
      %get3A_1320 = arith.index_cast %add3A_1319 : i32 to index
      %get3A_1321 = tpu.vector_load %arg6[%get3A_1320] {strides = array<i32>} : memref<16384xi32, #tpu.memory_space<vmem>>, vector<16xi32>,
      %add3A_1322 = arith.constant 1024 : i32
      %add3A_1323 = vector.broadcast %add3A_1322 : i32 to vector<16xi32>
      %add3A_1324 = arith.addi %get3A_1321, %add3A_1323 : vector<16xi32>
      %gather3A_1325 = tpu.vector_load_idx %arg5[%add3A_1324] : memref<2048xf32, #tpu.memory_space<vmem>>[vector<16xi32>], vector<16xf32>,
      %swap3A_1326 = arith.constant 1744 : index
      %swap3A_1327 = tpu.vector_load %arg7[%swap3A_1326] {strides = array<i32>} : memref<2048xf32, #tpu.memory_space<vmem>>, vector<16xf32>,
      tpu.vector_store %arg7[%swap3A_1326], %gather3A_1325 {strides = array<i32>} : memref<2048xf32, #tpu.memory_space<vmem>>, vector<16xf32>,
      %mul3A_1328 = arith.constant 1024 : i32
      %mul3A_1329 = arith.muli %scan3A_10, %mul3A_1328 : i32
      %add3A_1330 = arith.constant 736 : i32
      %add3A_1331 = arith.addi %mul3A_1329, %add3A_1330 : i32
      %get3A_1332 = arith.index_cast %add3A_1331 : i32 to index
      %get3A_1333 = tpu.vector_load %arg6[%get3A_1332] {strides = array<i32>} : memref<16384xi32, #tpu.memory_space<vmem>>, vector<16xi32>,
      %add3A_1334 = arith.constant 1024 : i32
      %add3A_1335 = vector.broadcast %add3A_1334 : i32 to vector<16xi32>
      %add3A_1336 = arith.addi %get3A_1333, %add3A_1335 : vector<16xi32>
      %gather3A_1337 = tpu.vector_load_idx %arg5[%add3A_1336] : memref<2048xf32, #tpu.memory_space<vmem>>[vector<16xi32>], vector<16xf32>,
      %swap3A_1338 = arith.constant 1760 : index
      %swap3A_1339 = tpu.vector_load %arg7[%swap3A_1338] {strides = array<i32>} : memref<2048xf32, #tpu.memory_space<vmem>>, vector<16xf32>,
      tpu.vector_store %arg7[%swap3A_1338], %gather3A_1337 {strides = array<i32>} : memref<2048xf32, #tpu.memory_space<vmem>>, vector<16xf32>,
      %mul3A_1340 = arith.constant 1024 : i32
      %mul3A_1341 = arith.muli %scan3A_10, %mul3A_1340 : i32
      %add3A_1342 = arith.constant 752 : i32
      %add3A_1343 = arith.addi %mul3A_1341, %add3A_1342 : i32
      %get3A_1344 = arith.index_cast %add3A_1343 : i32 to index
      %get3A_1345 = tpu.vector_load %arg6[%get3A_1344] {strides = array<i32>} : memref<16384xi32, #tpu.memory_space<vmem>>, vector<16xi32>,
      %add3A_1346 = arith.constant 1024 : i32
      %add3A_1347 = vector.broadcast %add3A_1346 : i32 to vector<16xi32>
      %add3A_1348 = arith.addi %get3A_1345, %add3A_1347 : vector<16xi32>
      %gather3A_1349 = tpu.vector_load_idx %arg5[%add3A_1348] : memref<2048xf32, #tpu.memory_space<vmem>>[vector<16xi32>], vector<16xf32>,
      %swap3A_1350 = arith.constant 1776 : index
      %swap3A_1351 = tpu.vector_load %arg7[%swap3A_1350] {strides = array<i32>} : memref<2048xf32, #tpu.memory_space<vmem>>, vector<16xf32>,
      tpu.vector_store %arg7[%swap3A_1350], %gather3A_1349 {strides = array<i32>} : memref<2048xf32, #tpu.memory_space<vmem>>, vector<16xf32>,
      %mul3A_1352 = arith.constant 1024 : i32
      %mul3A_1353 = arith.muli %scan3A_10, %mul3A_1352 : i32
      %add3A_1354 = arith.constant 768 : i32
      %add3A_1355 = arith.addi %mul3A_1353, %add3A_1354 : i32
      %get3A_1356 = arith.index_cast %add3A_1355 : i32 to index
      %get3A_1357 = tpu.vector_load %arg6[%get3A_1356] {strides = array<i32>} : memref<16384xi32, #tpu.memory_space<vmem>>, vector<16xi32>,
      %add3A_1358 = arith.constant 1024 : i32
      %add3A_1359 = vector.broadcast %add3A_1358 : i32 to vector<16xi32>
      %add3A_1360 = arith.addi %get3A_1357, %add3A_1359 : vector<16xi32>
      %gather3A_1361 = tpu.vector_load_idx %arg5[%add3A_1360] : memref<2048xf32, #tpu.memory_space<vmem>>[vector<16xi32>], vector<16xf32>,
      %swap3A_1362 = arith.constant 1792 : index
      %swap3A_1363 = tpu.vector_load %arg7[%swap3A_1362] {strides = array<i32>} : memref<2048xf32, #tpu.memory_space<vmem>>, vector<16xf32>,
      tpu.vector_store %arg7[%swap3A_1362], %gather3A_1361 {strides = array<i32>} : memref<2048xf32, #tpu.memory_space<vmem>>, vector<16xf32>,
      %mul3A_1364 = arith.constant 1024 : i32
      %mul3A_1365 = arith.muli %scan3A_10, %mul3A_1364 : i32
      %add3A_1366 = arith.constant 784 : i32
      %add3A_1367 = arith.addi %mul3A_1365, %add3A_1366 : i32
      %get3A_1368 = arith.index_cast %add3A_1367 : i32 to index
      %get3A_1369 = tpu.vector_load %arg6[%get3A_1368] {strides = array<i32>} : memref<16384xi32, #tpu.memory_space<vmem>>, vector<16xi32>,
      %add3A_1370 = arith.constant 1024 : i32
      %add3A_1371 = vector.broadcast %add3A_1370 : i32 to vector<16xi32>
      %add3A_1372 = arith.addi %get3A_1369, %add3A_1371 : vector<16xi32>
      %gather3A_1373 = tpu.vector_load_idx %arg5[%add3A_1372] : memref<2048xf32, #tpu.memory_space<vmem>>[vector<16xi32>], vector<16xf32>,
      %swap3A_1374 = arith.constant 1808 : index
      %swap3A_1375 = tpu.vector_load %arg7[%swap3A_1374] {strides = array<i32>} : memref<2048xf32, #tpu.memory_space<vmem>>, vector<16xf32>,
      tpu.vector_store %arg7[%swap3A_1374], %gather3A_1373 {strides = array<i32>} : memref<2048xf32, #tpu.memory_space<vmem>>, vector<16xf32>,
      %mul3A_1376 = arith.constant 1024 : i32
      %mul3A_1377 = arith.muli %scan3A_10, %mul3A_1376 : i32
      %add3A_1378 = arith.constant 800 : i32
      %add3A_1379 = arith.addi %mul3A_1377, %add3A_1378 : i32
      %get3A_1380 = arith.index_cast %add3A_1379 : i32 to index
      %get3A_1381 = tpu.vector_load %arg6[%get3A_1380] {strides = array<i32>} : memref<16384xi32, #tpu.memory_space<vmem>>, vector<16xi32>,
      %add3A_1382 = arith.constant 1024 : i32
      %add3A_1383 = vector.broadcast %add3A_1382 : i32 to vector<16xi32>
      %add3A_1384 = arith.addi %get3A_1381, %add3A_1383 : vector<16xi32>
      %gather3A_1385 = tpu.vector_load_idx %arg5[%add3A_1384] : memref<2048xf32, #tpu.memory_space<vmem>>[vector<16xi32>], vector<16xf32>,
      %swap3A_1386 = arith.constant 1824 : index
      %swap3A_1387 = tpu.vector_load %arg7[%swap3A_1386] {strides = array<i32>} : memref<2048xf32, #tpu.memory_space<vmem>>, vector<16xf32>,
      tpu.vector_store %arg7[%swap3A_1386], %gather3A_1385 {strides = array<i32>} : memref<2048xf32, #tpu.memory_space<vmem>>, vector<16xf32>,
      %mul3A_1388 = arith.constant 1024 : i32
      %mul3A_1389 = arith.muli %scan3A_10, %mul3A_1388 : i32
      %add3A_1390 = arith.constant 816 : i32
      %add3A_1391 = arith.addi %mul3A_1389, %add3A_1390 : i32
      %get3A_1392 = arith.index_cast %add3A_1391 : i32 to index
      %get3A_1393 = tpu.vector_load %arg6[%get3A_1392] {strides = array<i32>} : memref<16384xi32, #tpu.memory_space<vmem>>, vector<16xi32>,
      %add3A_1394 = arith.constant 1024 : i32
      %add3A_1395 = vector.broadcast %add3A_1394 : i32 to vector<16xi32>
      %add3A_1396 = arith.addi %get3A_1393, %add3A_1395 : vector<16xi32>
      %gather3A_1397 = tpu.vector_load_idx %arg5[%add3A_1396] : memref<2048xf32, #tpu.memory_space<vmem>>[vector<16xi32>], vector<16xf32>,
      %swap3A_1398 = arith.constant 1840 : index
      %swap3A_1399 = tpu.vector_load %arg7[%swap3A_1398] {strides = array<i32>} : memref<2048xf32, #tpu.memory_space<vmem>>, vector<16xf32>,
      tpu.vector_store %arg7[%swap3A_1398], %gather3A_1397 {strides = array<i32>} : memref<2048xf32, #tpu.memory_space<vmem>>, vector<16xf32>,
      %mul3A_1400 = arith.constant 1024 : i32
      %mul3A_1401 = arith.muli %scan3A_10, %mul3A_1400 : i32
      %add3A_1402 = arith.constant 832 : i32
      %add3A_1403 = arith.addi %mul3A_1401, %add3A_1402 : i32
      %get3A_1404 = arith.index_cast %add3A_1403 : i32 to index
      %get3A_1405 = tpu.vector_load %arg6[%get3A_1404] {strides = array<i32>} : memref<16384xi32, #tpu.memory_space<vmem>>, vector<16xi32>,
      %add3A_1406 = arith.constant 1024 : i32
      %add3A_1407 = vector.broadcast %add3A_1406 : i32 to vector<16xi32>
      %add3A_1408 = arith.addi %get3A_1405, %add3A_1407 : vector<16xi32>
      %gather3A_1409 = tpu.vector_load_idx %arg5[%add3A_1408] : memref<2048xf32, #tpu.memory_space<vmem>>[vector<16xi32>], vector<16xf32>,
      %swap3A_1410 = arith.constant 1856 : index
      %swap3A_1411 = tpu.vector_load %arg7[%swap3A_1410] {strides = array<i32>} : memref<2048xf32, #tpu.memory_space<vmem>>, vector<16xf32>,
      tpu.vector_store %arg7[%swap3A_1410], %gather3A_1409 {strides = array<i32>} : memref<2048xf32, #tpu.memory_space<vmem>>, vector<16xf32>,
      %mul3A_1412 = arith.constant 1024 : i32
      %mul3A_1413 = arith.muli %scan3A_10, %mul3A_1412 : i32
      %add3A_1414 = arith.constant 848 : i32
      %add3A_1415 = arith.addi %mul3A_1413, %add3A_1414 : i32
      %get3A_1416 = arith.index_cast %add3A_1415 : i32 to index
      %get3A_1417 = tpu.vector_load %arg6[%get3A_1416] {strides = array<i32>} : memref<16384xi32, #tpu.memory_space<vmem>>, vector<16xi32>,
      %add3A_1418 = arith.constant 1024 : i32
      %add3A_1419 = vector.broadcast %add3A_1418 : i32 to vector<16xi32>
      %add3A_1420 = arith.addi %get3A_1417, %add3A_1419 : vector<16xi32>
      %gather3A_1421 = tpu.vector_load_idx %arg5[%add3A_1420] : memref<2048xf32, #tpu.memory_space<vmem>>[vector<16xi32>], vector<16xf32>,
      %swap3A_1422 = arith.constant 1872 : index
      %swap3A_1423 = tpu.vector_load %arg7[%swap3A_1422] {strides = array<i32>} : memref<2048xf32, #tpu.memory_space<vmem>>, vector<16xf32>,
      tpu.vector_store %arg7[%swap3A_1422], %gather3A_1421 {strides = array<i32>} : memref<2048xf32, #tpu.memory_space<vmem>>, vector<16xf32>,
      %mul3A_1424 = arith.constant 1024 : i32
      %mul3A_1425 = arith.muli %scan3A_10, %mul3A_1424 : i32
      %add3A_1426 = arith.constant 864 : i32
      %add3A_1427 = arith.addi %mul3A_1425, %add3A_1426 : i32
      %get3A_1428 = arith.index_cast %add3A_1427 : i32 to index
      %get3A_1429 = tpu.vector_load %arg6[%get3A_1428] {strides = array<i32>} : memref<16384xi32, #tpu.memory_space<vmem>>, vector<16xi32>,
      %add3A_1430 = arith.constant 1024 : i32
      %add3A_1431 = vector.broadcast %add3A_1430 : i32 to vector<16xi32>
      %add3A_1432 = arith.addi %get3A_1429, %add3A_1431 : vector<16xi32>
      %gather3A_1433 = tpu.vector_load_idx %arg5[%add3A_1432] : memref<2048xf32, #tpu.memory_space<vmem>>[vector<16xi32>], vector<16xf32>,
      %swap3A_1434 = arith.constant 1888 : index
      %swap3A_1435 = tpu.vector_load %arg7[%swap3A_1434] {strides = array<i32>} : memref<2048xf32, #tpu.memory_space<vmem>>, vector<16xf32>,
      tpu.vector_store %arg7[%swap3A_1434], %gather3A_1433 {strides = array<i32>} : memref<2048xf32, #tpu.memory_space<vmem>>, vector<16xf32>,
      %mul3A_1436 = arith.constant 1024 : i32
      %mul3A_1437 = arith.muli %scan3A_10, %mul3A_1436 : i32
      %add3A_1438 = arith.constant 880 : i32
      %add3A_1439 = arith.addi %mul3A_1437, %add3A_1438 : i32
      %get3A_1440 = arith.index_cast %add3A_1439 : i32 to index
      %get3A_1441 = tpu.vector_load %arg6[%get3A_1440] {strides = array<i32>} : memref<16384xi32, #tpu.memory_space<vmem>>, vector<16xi32>,
      %add3A_1442 = arith.constant 1024 : i32
      %add3A_1443 = vector.broadcast %add3A_1442 : i32 to vector<16xi32>
      %add3A_1444 = arith.addi %get3A_1441, %add3A_1443 : vector<16xi32>
      %gather3A_1445 = tpu.vector_load_idx %arg5[%add3A_1444] : memref<2048xf32, #tpu.memory_space<vmem>>[vector<16xi32>], vector<16xf32>,
      %swap3A_1446 = arith.constant 1904 : index
      %swap3A_1447 = tpu.vector_load %arg7[%swap3A_1446] {strides = array<i32>} : memref<2048xf32, #tpu.memory_space<vmem>>, vector<16xf32>,
      tpu.vector_store %arg7[%swap3A_1446], %gather3A_1445 {strides = array<i32>} : memref<2048xf32, #tpu.memory_space<vmem>>, vector<16xf32>,
      %mul3A_1448 = arith.constant 1024 : i32
      %mul3A_1449 = arith.muli %scan3A_10, %mul3A_1448 : i32
      %add3A_1450 = arith.constant 896 : i32
      %add3A_1451 = arith.addi %mul3A_1449, %add3A_1450 : i32
      %get3A_1452 = arith.index_cast %add3A_1451 : i32 to index
      %get3A_1453 = tpu.vector_load %arg6[%get3A_1452] {strides = array<i32>} : memref<16384xi32, #tpu.memory_space<vmem>>, vector<16xi32>,
      %add3A_1454 = arith.constant 1024 : i32
      %add3A_1455 = vector.broadcast %add3A_1454 : i32 to vector<16xi32>
      %add3A_1456 = arith.addi %get3A_1453, %add3A_1455 : vector<16xi32>
      %gather3A_1457 = tpu.vector_load_idx %arg5[%add3A_1456] : memref<2048xf32, #tpu.memory_space<vmem>>[vector<16xi32>], vector<16xf32>,
      %swap3A_1458 = arith.constant 1920 : index
      %swap3A_1459 = tpu.vector_load %arg7[%swap3A_1458] {strides = array<i32>} : memref<2048xf32, #tpu.memory_space<vmem>>, vector<16xf32>,
      tpu.vector_store %arg7[%swap3A_1458], %gather3A_1457 {strides = array<i32>} : memref<2048xf32, #tpu.memory_space<vmem>>, vector<16xf32>,
      %mul3A_1460 = arith.constant 1024 : i32
      %mul3A_1461 = arith.muli %scan3A_10, %mul3A_1460 : i32
      %add3A_1462 = arith.constant 912 : i32
      %add3A_1463 = arith.addi %mul3A_1461, %add3A_1462 : i32
      %get3A_1464 = arith.index_cast %add3A_1463 : i32 to index
      %get3A_1465 = tpu.vector_load %arg6[%get3A_1464] {strides = array<i32>} : memref<16384xi32, #tpu.memory_space<vmem>>, vector<16xi32>,
      %add3A_1466 = arith.constant 1024 : i32
      %add3A_1467 = vector.broadcast %add3A_1466 : i32 to vector<16xi32>
      %add3A_1468 = arith.addi %get3A_1465, %add3A_1467 : vector<16xi32>
      %gather3A_1469 = tpu.vector_load_idx %arg5[%add3A_1468] : memref<2048xf32, #tpu.memory_space<vmem>>[vector<16xi32>], vector<16xf32>,
      %swap3A_1470 = arith.constant 1936 : index
      %swap3A_1471 = tpu.vector_load %arg7[%swap3A_1470] {strides = array<i32>} : memref<2048xf32, #tpu.memory_space<vmem>>, vector<16xf32>,
      tpu.vector_store %arg7[%swap3A_1470], %gather3A_1469 {strides = array<i32>} : memref<2048xf32, #tpu.memory_space<vmem>>, vector<16xf32>,
      %mul3A_1472 = arith.constant 1024 : i32
      %mul3A_1473 = arith.muli %scan3A_10, %mul3A_1472 : i32
      %add3A_1474 = arith.constant 928 : i32
      %add3A_1475 = arith.addi %mul3A_1473, %add3A_1474 : i32
      %get3A_1476 = arith.index_cast %add3A_1475 : i32 to index
      %get3A_1477 = tpu.vector_load %arg6[%get3A_1476] {strides = array<i32>} : memref<16384xi32, #tpu.memory_space<vmem>>, vector<16xi32>,
      %add3A_1478 = arith.constant 1024 : i32
      %add3A_1479 = vector.broadcast %add3A_1478 : i32 to vector<16xi32>
      %add3A_1480 = arith.addi %get3A_1477, %add3A_1479 : vector<16xi32>
      %gather3A_1481 = tpu.vector_load_idx %arg5[%add3A_1480] : memref<2048xf32, #tpu.memory_space<vmem>>[vector<16xi32>], vector<16xf32>,
      %swap3A_1482 = arith.constant 1952 : index
      %swap3A_1483 = tpu.vector_load %arg7[%swap3A_1482] {strides = array<i32>} : memref<2048xf32, #tpu.memory_space<vmem>>, vector<16xf32>,
      tpu.vector_store %arg7[%swap3A_1482], %gather3A_1481 {strides = array<i32>} : memref<2048xf32, #tpu.memory_space<vmem>>, vector<16xf32>,
      %mul3A_1484 = arith.constant 1024 : i32
      %mul3A_1485 = arith.muli %scan3A_10, %mul3A_1484 : i32
      %add3A_1486 = arith.constant 944 : i32
      %add3A_1487 = arith.addi %mul3A_1485, %add3A_1486 : i32
      %get3A_1488 = arith.index_cast %add3A_1487 : i32 to index
      %get3A_1489 = tpu.vector_load %arg6[%get3A_1488] {strides = array<i32>} : memref<16384xi32, #tpu.memory_space<vmem>>, vector<16xi32>,
      %add3A_1490 = arith.constant 1024 : i32
      %add3A_1491 = vector.broadcast %add3A_1490 : i32 to vector<16xi32>
      %add3A_1492 = arith.addi %get3A_1489, %add3A_1491 : vector<16xi32>
      %gather3A_1493 = tpu.vector_load_idx %arg5[%add3A_1492] : memref<2048xf32, #tpu.memory_space<vmem>>[vector<16xi32>], vector<16xf32>,
      %swap3A_1494 = arith.constant 1968 : index
      %swap3A_1495 = tpu.vector_load %arg7[%swap3A_1494] {strides = array<i32>} : memref<2048xf32, #tpu.memory_space<vmem>>, vector<16xf32>,
      tpu.vector_store %arg7[%swap3A_1494], %gather3A_1493 {strides = array<i32>} : memref<2048xf32, #tpu.memory_space<vmem>>, vector<16xf32>,
      %mul3A_1496 = arith.constant 1024 : i32
      %mul3A_1497 = arith.muli %scan3A_10, %mul3A_1496 : i32
      %add3A_1498 = arith.constant 960 : i32
      %add3A_1499 = arith.addi %mul3A_1497, %add3A_1498 : i32
      %get3A_1500 = arith.index_cast %add3A_1499 : i32 to index
      %get3A_1501 = tpu.vector_load %arg6[%get3A_1500] {strides = array<i32>} : memref<16384xi32, #tpu.memory_space<vmem>>, vector<16xi32>,
      %add3A_1502 = arith.constant 1024 : i32
      %add3A_1503 = vector.broadcast %add3A_1502 : i32 to vector<16xi32>
      %add3A_1504 = arith.addi %get3A_1501, %add3A_1503 : vector<16xi32>
      %gather3A_1505 = tpu.vector_load_idx %arg5[%add3A_1504] : memref<2048xf32, #tpu.memory_space<vmem>>[vector<16xi32>], vector<16xf32>,
      %swap3A_1506 = arith.constant 1984 : index
      %swap3A_1507 = tpu.vector_load %arg7[%swap3A_1506] {strides = array<i32>} : memref<2048xf32, #tpu.memory_space<vmem>>, vector<16xf32>,
      tpu.vector_store %arg7[%swap3A_1506], %gather3A_1505 {strides = array<i32>} : memref<2048xf32, #tpu.memory_space<vmem>>, vector<16xf32>,
      %mul3A_1508 = arith.constant 1024 : i32
      %mul3A_1509 = arith.muli %scan3A_10, %mul3A_1508 : i32
      %add3A_1510 = arith.constant 976 : i32
      %add3A_1511 = arith.addi %mul3A_1509, %add3A_1510 : i32
      %get3A_1512 = arith.index_cast %add3A_1511 : i32 to index
      %get3A_1513 = tpu.vector_load %arg6[%get3A_1512] {strides = array<i32>} : memref<16384xi32, #tpu.memory_space<vmem>>, vector<16xi32>,
      %add3A_1514 = arith.constant 1024 : i32
      %add3A_1515 = vector.broadcast %add3A_1514 : i32 to vector<16xi32>
      %add3A_1516 = arith.addi %get3A_1513, %add3A_1515 : vector<16xi32>
      %gather3A_1517 = tpu.vector_load_idx %arg5[%add3A_1516] : memref<2048xf32, #tpu.memory_space<vmem>>[vector<16xi32>], vector<16xf32>,
      %swap3A_1518 = arith.constant 2000 : index
      %swap3A_1519 = tpu.vector_load %arg7[%swap3A_1518] {strides = array<i32>} : memref<2048xf32, #tpu.memory_space<vmem>>, vector<16xf32>,
      tpu.vector_store %arg7[%swap3A_1518], %gather3A_1517 {strides = array<i32>} : memref<2048xf32, #tpu.memory_space<vmem>>, vector<16xf32>,
      %mul3A_1520 = arith.constant 1024 : i32
      %mul3A_1521 = arith.muli %scan3A_10, %mul3A_1520 : i32
      %add3A_1522 = arith.constant 992 : i32
      %add3A_1523 = arith.addi %mul3A_1521, %add3A_1522 : i32
      %get3A_1524 = arith.index_cast %add3A_1523 : i32 to index
      %get3A_1525 = tpu.vector_load %arg6[%get3A_1524] {strides = array<i32>} : memref<16384xi32, #tpu.memory_space<vmem>>, vector<16xi32>,
      %add3A_1526 = arith.constant 1024 : i32
      %add3A_1527 = vector.broadcast %add3A_1526 : i32 to vector<16xi32>
      %add3A_1528 = arith.addi %get3A_1525, %add3A_1527 : vector<16xi32>
      %gather3A_1529 = tpu.vector_load_idx %arg5[%add3A_1528] : memref<2048xf32, #tpu.memory_space<vmem>>[vector<16xi32>], vector<16xf32>,
      %swap3A_1530 = arith.constant 2016 : index
      %swap3A_1531 = tpu.vector_load %arg7[%swap3A_1530] {strides = array<i32>} : memref<2048xf32, #tpu.memory_space<vmem>>, vector<16xf32>,
      tpu.vector_store %arg7[%swap3A_1530], %gather3A_1529 {strides = array<i32>} : memref<2048xf32, #tpu.memory_space<vmem>>, vector<16xf32>,
      %mul3A_1532 = arith.constant 1024 : i32
      %mul3A_1533 = arith.muli %scan3A_10, %mul3A_1532 : i32
      %add3A_1534 = arith.constant 1008 : i32
      %add3A_1535 = arith.addi %mul3A_1533, %add3A_1534 : i32
      %get3A_1536 = arith.index_cast %add3A_1535 : i32 to index
      %get3A_1537 = tpu.vector_load %arg6[%get3A_1536] {strides = array<i32>} : memref<16384xi32, #tpu.memory_space<vmem>>, vector<16xi32>,
      %add3A_1538 = arith.constant 1024 : i32
      %add3A_1539 = vector.broadcast %add3A_1538 : i32 to vector<16xi32>
      %add3A_1540 = arith.addi %get3A_1537, %add3A_1539 : vector<16xi32>
      %gather3A_1541 = tpu.vector_load_idx %arg5[%add3A_1540] : memref<2048xf32, #tpu.memory_space<vmem>>[vector<16xi32>], vector<16xf32>,
      %swap3A_1542 = arith.constant 2032 : index
      %swap3A_1543 = tpu.vector_load %arg7[%swap3A_1542] {strides = array<i32>} : memref<2048xf32, #tpu.memory_space<vmem>>, vector<16xf32>,
      tpu.vector_store %arg7[%swap3A_1542], %gather3A_1541 {strides = array<i32>} : memref<2048xf32, #tpu.memory_space<vmem>>, vector<16xf32>,
      %mul3A_1544 = arith.constant 64 : i32
      %mul3A_1545 = arith.muli %scan3A_10, %mul3A_1544 : i32
      %add3A_1546 = arith.addi %mul3A_1545, %mul3A_2 : i32
      %mul3A_1547 = arith.constant 1024 : i32
      %mul3A_1548 = arith.muli %add3A_1546, %mul3A_1547 : i32
      "tpu.region"() ({
        %run_scoped3A = tpu.sem_alloc : memref<!tpu.dma_semaphore, #tpu.memory_space<semaphore_mem>>
        %dma_start3A = tpu.memref_slice %arg4[%mul3A_1548] : memref<1048576xf32, #tpu.memory_space<hbm>> -> memref<2048xf32, #tpu.memory_space<hbm>>
        %dma_start3A_1549 = tpu.memref_slice %arg4[%mul3A_1548] : memref<1048576xf32, #tpu.memory_space<hbm>> -> memref<2048xf32, #tpu.memory_space<hbm>>
        tpu.enqueue_dma source(%arg7 : memref<2048xf32, #tpu.memory_space<vmem>>) target(%dma_start3A_1549 : memref<2048xf32, #tpu.memory_space<hbm>>) target_semaphore(%run_scoped3A : memref<!tpu.dma_semaphore, #tpu.memory_space<semaphore_mem>>)
        %dma_wait3A = tpu.memref_slice %arg4[%mul3A_1548] : memref<1048576xf32, #tpu.memory_space<hbm>> -> memref<2048xf32, #tpu.memory_space<hbm>>
        %dma_wait3A_1550 = tpu.memref_slice %arg4[%mul3A_1548] : memref<1048576xf32, #tpu.memory_space<hbm>> -> memref<2048xf32, #tpu.memory_space<hbm>>
        tpu.wait_dma2 semaphore(%run_scoped3A : memref<!tpu.dma_semaphore, #tpu.memory_space<semaphore_mem>>) src(%arg7 : memref<2048xf32, #tpu.memory_space<vmem>>) dst(%dma_wait3A_1550 : memref<2048xf32, #tpu.memory_space<hbm>>)
        tpu.yield
      }) : () -> ()
    }
    %scan3A_9 = arith.constant 16 : i32
    return
  }
}

module attributes {stable_mosaic.version = 14 : i64} {
  func.func @_vq_tc_body(%arg0: i32, %arg1: memref<1x64x1024xf32, #tpu.memory_space<vmem>>, %arg2: memref<1024x64xf32, #tpu.memory_space<vmem>>, %arg3: memref<1x1x1024xi32, #tpu.memory_space<vmem>>, %arg4: memref<1x1xf32, #tpu.memory_space<smem>>, %arg5: memref<64x1024xf32, #tpu.memory_space<vmem>>) attributes {dimension_semantics = [#tpu.dimension_semantics<arbitrary>], iteration_bounds = array<i64: 16>, scalar_prefetch = 0 : i64, scratch_operands = 0 : i64, tpu.core_type = #tpu.core_type<tc>, window_params = [{transform_indices = @transform_0, window_bounds = array<i64: 1, 64, 1024>}, {pipeline_mode = #tpu.pipeline_mode<synchronous>, transform_indices = @transform_1, window_bounds = array<i64: 1024, 64>}, {transform_indices = @transform_2, window_bounds = array<i64: 1, 1, 1024>}, {transform_indices = @transform_3, window_bounds = array<i64: 1, 1>}, {pipeline_mode = #tpu.pipeline_mode<synchronous>, transform_indices = @transform_4, window_bounds = array<i64: 64, 1024>}]} {
    %get3A = arith.constant 0 : index
    %get3A_0 = arith.constant 0 : index
    %get3A_1 = arith.constant 0 : index
    %get3A_2 = vector.load %arg1[%get3A, %get3A_0, %get3A_1] : memref<1x64x1024xf32, #tpu.memory_space<vmem>>, vector<1x64x1024xf32>
    %get3A_3 = vector.shape_cast %get3A_2 : vector<1x64x1024xf32> to vector<64x1024xf32>
    %get3A_4 = arith.constant 0 : index
    %get3A_5 = arith.constant 0 : index
    %get3A_6 = vector.load %arg2[%get3A_4, %get3A_5] : memref<1024x64xf32, #tpu.memory_space<vmem>>, vector<1024x64xf32>
    %dot_general3A = arith.constant dense<0.000000e+00> : vector<1024x1024xf32>
    %dot_general3A_7 = tpu.matmul %get3A_6, %get3A_3, %dot_general3A {dimension_numbers = #tpu.dot_dimension_numbers<[1], [0], [0], [1], [0, 0, 1, 1], [], []>, transpose_lhs_hint = false} : vector<1024x64xf32>, vector<64x1024xf32>, vector<1024x1024xf32> -> vector<1024x1024xf32>
    %mul3A = arith.mulf %get3A_3, %get3A_3 : vector<64x1024xf32>
    %reduce_sum3A = arith.constant dense<0.000000e+00> : vector<1024xf32>
    %reduce_sum3A_8 = vector.multi_reduction <add>, %mul3A, %reduce_sum3A [0] : vector<64x1024xf32> to vector<1024xf32>
    %broadcast_in_dim3A = vector.shape_cast %reduce_sum3A_8 : vector<1024xf32> to vector<1x1024xf32>
    %mul3A_9 = arith.mulf %get3A_6, %get3A_6 : vector<1024x64xf32>
    %reduce_sum3A_10 = arith.constant dense<0.000000e+00> : vector<1024xf32>
    %reduce_sum3A_11 = vector.multi_reduction <add>, %mul3A_9, %reduce_sum3A_10 [1] : vector<1024x64xf32> to vector<1024xf32>
    %broadcast_in_dim3A_12 = vector.shape_cast %reduce_sum3A_11 : vector<1024xf32> to vector<1024x1xf32>
    %add3A = vector.broadcast %broadcast_in_dim3A : vector<1x1024xf32> to vector<1024x1024xf32>
    %add3A_13 = vector.broadcast %broadcast_in_dim3A_12 : vector<1024x1xf32> to vector<1024x1024xf32>
    %add3A_14 = arith.addf %add3A, %add3A_13 : vector<1024x1024xf32>
    %mul3A_15 = arith.constant 2.000000e+00 : f32
    %mul3A_16 = vector.broadcast %mul3A_15 : f32 to vector<1024x1024xf32>
    %mul3A_17 = arith.mulf %mul3A_16, %dot_general3A_7 : vector<1024x1024xf32>
    %sub3A = arith.subf %add3A_14, %mul3A_17 : vector<1024x1024xf32>
    %reduce_min3A = arith.constant dense<0x7F800000> : vector<1024xf32>
    %reduce_min3A_18 = vector.multi_reduction <minimumf>, %sub3A, %reduce_min3A [0] : vector<1024x1024xf32> to vector<1024xf32>
    %broadcast_in_dim3A_19 = vector.shape_cast %reduce_min3A_18 : vector<1024xf32> to vector<1x1024xf32>
    %iota3A = tpu.iota {dimensions = array<i32: 0>} : vector<1024x1024xi32>
    %eq3A = vector.broadcast %broadcast_in_dim3A_19 : vector<1x1024xf32> to vector<1024x1024xf32>
    %eq3A_20 = arith.cmpf oeq, %sub3A, %eq3A : vector<1024x1024xf32>
    %jit3A = arith.constant 1024 : i32
    %broadcast_in_dim3A_21 = vector.broadcast %jit3A : i32 to vector<1024x1024xi32>
    %select_n3A = arith.select %eq3A_20, %iota3A, %broadcast_in_dim3A_21 : vector<1024x1024xi1>, vector<1024x1024xi32>
    %reduce_min3A_22 = arith.constant dense<2147483647> : vector<1024xi32>
    %reduce_min3A_23 = vector.multi_reduction <minsi>, %select_n3A, %reduce_min3A_22 [0] : vector<1024x1024xi32> to vector<1024xi32>
    %broadcast_in_dim3A_24 = vector.shape_cast %reduce_min3A_23 : vector<1024xi32> to vector<1x1024xi32>
    %swap3A = arith.constant 0 : index
    %swap3A_25 = arith.constant 0 : index
    %swap3A_26 = arith.constant 0 : index
    %swap3A_27 = vector.load %arg3[%swap3A, %swap3A_25, %swap3A_26] : memref<1x1x1024xi32, #tpu.memory_space<vmem>>, vector<1x1x1024xi32>
    %swap3A_28 = vector.shape_cast %swap3A_27 : vector<1x1x1024xi32> to vector<1x1024xi32>
    %swap3A_29 = vector.shape_cast %broadcast_in_dim3A_24 : vector<1x1024xi32> to vector<1x1x1024xi32>
    tpu.vector_store %arg3[%swap3A, %swap3A_25, %swap3A_26], %swap3A_29 {strides = array<i32>} : memref<1x1x1024xi32, #tpu.memory_space<vmem>>, vector<1x1x1024xi32>,
    %reduce_sum3A_30 = vector.shape_cast %broadcast_in_dim3A_19 : vector<1x1024xf32> to vector<1x1x1024xf32>
    %reduce_sum3A_31 = arith.constant dense<0.000000e+00> : vector<1xf32>
    %reduce_sum3A_32 = vector.multi_reduction <add>, %reduce_sum3A_30, %reduce_sum3A_31 [1, 2] : vector<1x1x1024xf32> to vector<1xf32>
    %reduce_sum3A_33 = vector.shape_cast %reduce_sum3A_32 : vector<1xf32> to vector<1x1x1xf32>
    %reduce_sum3A_34 = vector.extract %reduce_sum3A_33[0, 0, 0] : f32 from vector<1x1x1xf32>
    %eq3A_35 = arith.constant 0 : i32
    %eq3A_36 = arith.cmpi eq, %arg0, %eq3A_35 : i32
    %get3A_37 = arith.constant 0 : index
    %get3A_38 = arith.constant 0 : index
    %get3A_39 = memref.load %arg4[%get3A_37, %get3A_38] : memref<1x1xf32, #tpu.memory_space<smem>>
    %jit3A_40 = arith.constant 0.000000e+00 : f32
    %select_n3A_41 = arith.select %eq3A_36, %jit3A_40, %get3A_39 : f32
    %add3A_42 = arith.addf %select_n3A_41, %reduce_sum3A_34 : f32
    %eq3A_43 = arith.constant 15 : i32
    %eq3A_44 = arith.cmpi eq, %arg0, %eq3A_43 : i32
    %mul3A_45 = arith.constant 2.38418579E-7 : f32
    %mul3A_46 = arith.mulf %add3A_42, %mul3A_45 : f32
    %select_n3A_47 = arith.select %eq3A_44, %mul3A_46, %add3A_42 : f32
    %swap3A_48 = arith.constant 0 : index
    %swap3A_49 = arith.constant 0 : index
    %swap3A_50 = memref.load %arg4[%swap3A_48, %swap3A_49] : memref<1x1xf32, #tpu.memory_space<smem>>
    memref.store %select_n3A_47, %arg4[%swap3A_48, %swap3A_49] : memref<1x1xf32, #tpu.memory_space<smem>>
    %eq3A_51 = arith.constant 0 : i32
    %eq3A_52 = arith.cmpi eq, %arg0, %eq3A_51 : i32
    %convert_element_type3A = arith.extui %eq3A_52 : i1 to i32
    %cond3A = arith.constant 0 : i32
    %cond3A_53 = arith.cmpi ne, %convert_element_type3A, %cond3A : i32
    scf.if %cond3A_53 {
      %iota3A_54 = tpu.iota {dimensions = array<i32: 0>} : vector<64x64xi32>
      %iota3A_55 = tpu.iota {dimensions = array<i32: 1>} : vector<64x64xi32>
      %eq3A_56 = arith.cmpi eq, %iota3A_54, %iota3A_55 : vector<64x64xi32>
      %convert_element_type3A_57 = arith.extui %eq3A_56 : vector<64x64xi1> to vector<64x64xi32>
      %convert_element_type3A_58 = arith.sitofp %convert_element_type3A_57 : vector<64x64xi32> to vector<64x64xf32>
      %dot_general3A_59 = arith.constant dense<0.000000e+00> : vector<64x1024xf32>
      %dot_general3A_60 = tpu.matmul %convert_element_type3A_58, %get3A_6, %dot_general3A_59 {dimension_numbers = #tpu.dot_dimension_numbers<[1], [1], [0], [0], [0, 0, 1, 0], [], []>, precision = #tpu.contract_precision<fp32>, transpose_lhs_hint = false} : vector<64x64xf32>, vector<1024x64xf32>, vector<64x1024xf32> -> vector<64x1024xf32>
      %swap3A_61 = arith.constant 0 : index
      %swap3A_62 = arith.constant 0 : index
      %swap3A_63 = vector.load %arg5[%swap3A_61, %swap3A_62] : memref<64x1024xf32, #tpu.memory_space<vmem>>, vector<64x1024xf32>
      tpu.vector_store %arg5[%swap3A_61, %swap3A_62], %dot_general3A_60 {strides = array<i32>} : memref<64x1024xf32, #tpu.memory_space<vmem>>, vector<64x1024xf32>,
    } else {
    }
    return
  }
  func.func @transform_0(%arg0: i32) -> (i32, i32, i32) {
    %c0_i32 = arith.constant 0 : i32
    %c0_i32_0 = arith.constant 0 : i32
    %c0_i32_1 = arith.constant 0 : i32
    return %arg0, %c0_i32, %c0_i32_0 : i32, i32, i32
  }
  func.func @transform_1(%arg0: i32) -> (i32, i32) {
    %c0_i32 = arith.constant 0 : i32
    %c0_i32_0 = arith.constant 0 : i32
    %c0_i32_1 = arith.constant 0 : i32
    return %c0_i32, %c0_i32_0 : i32, i32
  }
  func.func @transform_2(%arg0: i32) -> (i32, i32, i32) {
    %c0_i32 = arith.constant 0 : i32
    %c0_i32_0 = arith.constant 0 : i32
    %c0_i32_1 = arith.constant 0 : i32
    return %arg0, %c0_i32, %c0_i32_0 : i32, i32, i32
  }
  func.func @transform_3(%arg0: i32) -> (i32, i32) {
    %c0_i32 = arith.constant 0 : i32
    %c0_i32_0 = arith.constant 0 : i32
    %c0_i32_1 = arith.constant 0 : i32
    return %c0_i32, %c0_i32_0 : i32, i32
  }
  func.func @transform_4(%arg0: i32) -> (i32, i32) {
    %c0_i32 = arith.constant 0 : i32
    %c0_i32_0 = arith.constant 0 : i32
    %c0_i32_1 = arith.constant 0 : i32
    return %c0_i32, %c0_i32_0 : i32, i32
  }
}

</mosaic_0001>

<sc_bundles>
// kernel: kernel.4.cloned.1.call-start
scs
__scs_entry_jumppad:
0x0: {  	(pc) =	sbr.rel $0x88, $3  }
0x1: {  	(tag) =	ssettag $0x0;
	lr =	simm.s32 $0x1  }
0x2: {  	[smem:$0x3F9F] =	sst lr;
	_ =	strace $0xD0000000  }
0x3: {  	_ = 	snop  }
0x4: {  	_ = 	snop  }
0x5: {  	_ = 	snop  }
0x6: {  	_ = 	snop  }
0x7: {  	_ = 	snop  }
__scs_overlays_trampoline_lowered:
0x8: {  	[smem:$0x3FAE] =	sst s0  }
0x9: {  	[smem:$0x3FAF] =	sst s1  }
0xa: {  	[smem:$0x3FB0] =	sst s2  }
0xb: {  	[smem:$0x3FB1] =	sst s3  }
0xc: {  	[smem:$0x3FB2] =	sst s4  }
0xd: {  	[smem:$0x3FB3] =	sst s5  }
0xe: {  	[smem:$0x3FB4] =	sst s6  }
0xf: {  	[smem:$0x3FB5] =	sst s7  }
0x10: {  	[smem:$0x3FB6] =	sst s8  }
0x11: {  	[smem:$0x3FB7] =	sst s9;
	s0 =	simm.s32 @!p0 $0x0  }
0x12: {  	s1 =	sld [smem:$0x3F9D];
	s0 =	simm.s32 @p0 $0x1  }
0x13: {  	[smem:$0x3FB8] =	sst s0;
	s0 =	simm.s32 @!p1 $0x0  }
0x14: {  	s2 =	sld [smem:$0x3F9C];
	s0 =	simm.s32 @p1 $0x1  }
0x15: {  	[smem:$0x3FB9] =	sst s0;
	s0 =	simm.s32 @!p2 $0x0  }
0x16: {  	s3 =	sld [smem:$0x3FDB];
	s0 =	simm.s32 @p2 $0x1  }
0x17: {  	s4 =	simm.s32 $0x1BF5;
	[smem:$0x3FBB] =	sst s0  }
0x18: {  	s0 =	sld [smem:$0x3F9E];
	_ =	swait.ge [sflag:s4], $0x0  }
0x19: {  	s7 =	sld [smem:$0x3F9F]  }
0x1a: {  	s8 =	sadd.s32 $0xFFFFE003, lr  }
0x1b: {  	s9 =	sadd.s32 $0xFFFFFEF7, lr;
	s5 =	simm.s32 $0xFFFFFFFF;
	p2 =	slt.u32 s8, $0xFFFFF086  }
0x1c: {  	p1 =	slt.u32 s9, $0xF7A;
	s5 =	simm.s32 @!p2 $0x0  }
0x1d: {  	s5 =	simm.s32 @p1 $0x1;
	p0 =	seq.s32 s7, s2  }
0x1e: {  	s7 =	smul.u32 @!p0 $0xF7A, s2;
	p2 =	seq.s32 @!p0 s5, $0x0  }
0x1f: {  	s9 =	smul.u32 $0xF7A, s1;
	s8 =	simm.s32 @!p0 $0x1BF5;
	p2 =	por !p2, p0  }
0x20: {  	[sflag:s8] =	ssyncset.s32 @!p0 $0xFFFFF086;
	s6 =	sadd.s32 @!p0 s3, s7;
	s7 =	simm.s32 @!p0 $0x108  }
0x21: {  	s3 =	sadd.s32 s3, s9;
	s6 =	sadd.s32 @!p0 $0x88, s6;
	s7 =	simm.s32 @p2 $0x1082  }
0x22: {  	[simem:s7], [sflag:s8] =	dma.local @!p0 [hbm:s6], $0xF7A  }
0x23: {  	s9 =	sor.u32 $0xD0000000, s2;
	s6 =	simm.s32 $0x108;
	_ =	swait.ge @!p0 [sflag:s8], $0x0  }
0x24: {  	s3 =	sadd.s32 $0x88, s3;
	s6 =	simm.s32 @!p1 $0x1082;
	[sflag:s4] =	ssyncset.s32 $0xFFFFF086  }
0x25: {  	[simem:s6], [sflag:s4] =	dma.local [hbm:s3], $0xF7A  }
0x26: {  	[smem:$0x3F9F] =	sst s1;
	(tag) =	ssettag s2;
	_ =	strace s9  }
0x27: {  	s1 =	sld [smem:$0x3FAF]  }
0x28: {  	s2 =	sld [smem:$0x3FB0]  }
0x29: {  	s4 =	sld [smem:$0x3FB2]  }
0x2a: {  	p0 =	seq.s32 s5, $0x0;
	s5 =	sld [smem:$0x3FB3]  }
0x2b: {  	s6 =	sld [smem:$0x3FB4]  }
0x2c: {  	s7 =	sld [smem:$0x3FB5]  }
0x2d: {  	s3 =	simm.s32 $0x108;
	s8 =	sld [smem:$0x3FB6]  }
0x2e: {  	s3 =	simm.s32 @!p0 $0x1082;
	s9 =	sld [smem:$0x3FB7]  }
0x2f: {  	lr =	sadd.s32 s0, s3;
	s0 =	sld [smem:$0x3FAE]  }
0x30: {  	s3 =	sld [smem:$0x3FB1]  }
0x31: {  	[smem:$0x3FBA] =	sst s10  }
0x32: {  	s10 =	sld [smem:$0x3FB8];
	_ =	sdelay $0x3  }
0x33: {  	p0 =	seq.s32 s10, $0x1;
	s10 =	sld [smem:$0x3FBA];
	_ =	sdelay $0x3  }
0x34: {  	[smem:$0x3FBA] =	sst s10  }
0x35: {  	s10 =	sld [smem:$0x3FB9];
	_ =	sdelay $0x3  }
0x36: {  	p1 =	seq.s32 s10, $0x1;
	s10 =	sld [smem:$0x3FBA];
	_ =	sdelay $0x3  }
0x37: {  	[smem:$0x3FBA] =	sst s10  }
0x38: {  	s10 =	sld [smem:$0x3FBB]  }
0x39: {  	_ = 	snop;
	(pc) =	sbr.ind lr, $3  }
0x3a: {  	_ = 	snop  }
0x3b: {  	_ = 	snop  }
0x3c: {  	p2 =	seq.s32 s10, $0x1;
	s10 =	sld [smem:$0x3FBA]  }
0x3d: {  	_ =	shalt  }
0x3e: {  	_ =	shalt  }
0x3f: {  	_ =	shalt  }
0x40: {  	_ =	shalt  }
0x41: {  	_ =	shalt  }
0x42: {  	_ =	shalt  }
0x43: {  	_ =	shalt  }
0x44: {  	_ =	shalt  }
0x45: {  	_ =	shalt  }
0x46: {  	_ =	shalt  }
0x47: {  	_ =	shalt  }
0x48: {  	_ =	shalt  }
0x49: {  	_ =	shalt  }
0x4a: {  	_ =	shalt  }
0x4b: {  	_ =	shalt  }
0x4c: {  	_ =	shalt  }
0x4d: {  	_ =	shalt  }
0x4e: {  	_ =	shalt  }
0x4f: {  	_ =	shalt  }
0x50: {  	_ =	shalt  }
0x51: {  	_ =	shalt  }
0x52: {  	_ =	shalt  }
0x53: {  	_ =	shalt  }
0x54: {  	_ =	shalt  }
0x55: {  	_ =	shalt  }
0x56: {  	_ =	shalt  }
0x57: {  	_ =	shalt  }
0x58: {  	_ =	shalt  }
0x59: {  	_ =	shalt  }
0x5a: {  	_ =	shalt  }
0x5b: {  	_ =	shalt  }
0x5c: {  	_ =	shalt  }
0x5d: {  	_ =	shalt  }
0x5e: {  	_ =	shalt  }
0x5f: {  	_ =	shalt  }
0x60: {  	_ =	shalt  }
0x61: {  	_ =	shalt  }
0x62: {  	_ =	shalt  }
0x63: {  	_ =	shalt  }
0x64: {  	_ =	shalt  }
0x65: {  	_ =	shalt  }
0x66: {  	_ =	shalt  }
0x67: {  	_ =	shalt  }
0x68: {  	_ =	shalt  }
0x69: {  	_ =	shalt  }
0x6a: {  	_ =	shalt  }
0x6b: {  	_ =	shalt  }
0x6c: {  	_ =	shalt  }
0x6d: {  	_ =	shalt  }
0x6e: {  	_ =	shalt  }
0x6f: {  	_ =	shalt  }
0x70: {  	_ =	shalt  }
0x71: {  	_ =	shalt  }
0x72: {  	_ =	shalt  }
0x73: {  	_ =	shalt  }
0x74: {  	_ =	shalt  }
0x75: {  	_ =	shalt  }
0x76: {  	_ =	shalt  }
0x77: {  	_ =	shalt  }
0x78: {  	_ =	shalt  }
0x79: {  	_ =	shalt  }
0x7a: {  	_ =	shalt  }
0x7b: {  	_ =	shalt  }
0x7c: {  	_ =	shalt  }
0x7d: {  	_ =	shalt  }
0x7e: {  	_ =	shalt  }
0x7f: {  	_ =	shalt  }
0x80: {  	_ =	shalt  }
0x81: {  	_ =	shalt  }
0x82: {  	_ =	shalt  }
0x83: {  	_ =	shalt  }
0x84: {  	_ =	shalt  }
0x85: {  	_ =	shalt  }
0x86: {  	_ =	shalt  }
0x87: {  	_ =	shalt  }
.Lfunc_end0:
.L_simem_size_0:
called_computation_lowered:
.L_overlay_start_0:
0x88: {  	s2 =	sld [smem:$0x3FD9]  }
0x89: {  	s3 =	sld [smem:$0x3FFE];
	_ =	sdelay $0x1  }
0x8a: {  	s1 =	srdreg.scid  }
0x8b: {  	s0 =	sand.u32 $0x1, s1  }
0x8c: {  	s14 =	sshll.u32 s0, $0xA;
	s2 =	sadd.s32 s3, s2  }
0x8d: {  	s2 =	sadd.s32 s2, s14  }
0x8e: {  	[smem:$0x3FC6] =	sst s2  }
0x8f: {  	_ = 	snop  }
0x90: {  	s2 =	sld [smem:$0x3FD0];
	_ =	sdelay $0x2  }
0x91: {  	s15 =	simm.s32 $0xA;
	s4 =	simm.s32 $0x10  }
0x92: {  	[smem:s4], [sflag:s15] =	dma.local [hbm:s2], $0x1  }
0x93: {  	_ =	swait.eq [sflag:s15], $0x1  }
0x94: {  	[sflag:s15] =	ssyncset.done $0x0  }
0x95: {  	[sflag:s15] =	ssyncadd.s32 $0xFFFFFFFF  }
0x96: {  	s16 =	sld [smem:$0x10];
	(tm) =	ssettm $0x1  }
0x97: {  	s17 =	sld [smem:$0x3FFB];
	_ =	sdelay $0x3  }
0x98: {  	_ =	strace s17  }
0x99: {  	s3 =	sld [smem:$0x3FFC];
	_ =	sdelay $0x3  }
0x9a: {  	_ =	strace s3  }
0x9b: {  	s3 =	sld [smem:$0x3FFD];
	_ =	sdelay $0x3  }
0x9c: {  	_ =	strace s3  }
0x9d: {  	_ =	strace $0x8FFFFFFF  }
0x9e: {  	s18 =	sld [smem:$0x3FDB];
	_ =	sdelay $0x1  }
0x9f: {  	s19 =	simm.s32 $_scs_section_size  }
0xa0: {  	s5 =	simm.s32 $_size__tile_overlayer_lowered;
	s6 =	simm.s32 $_tile_overlayer_lowered  }
0xa1: {  	s22 =	simm.s32 $0x1BFF;
	s21 =	sshll.u32 s6, $0x1;
	s3 =	sadd.s32 s19, s18  }
0xa2: {  	s7 =	simm.s32 $0x0;
	s20 =	sshll.u32 s5, $0x1;
	s5 =	sadd.s32 s21, s3  }
0xa3: {  	[timem:s7], [sflag:s22] =	dma.local [hbm:s5], s20  }
0xa4: {  	_ =	swait.ge [sflag:s22], s20  }
0xa5: {  	s4 =	ssub.s32 $0x0, s20;
	[sflag:s22] =	ssyncset.done $0x0  }
0xa6: {  	[sflag:s22] =	ssyncadd.s32 s4;
	_ =	sdelay $0x1  }
0xa7: {  	s23 =	simm.s32 $0x1B8B  }
0xa8: {  	_ =	swait.ge [sflag:s23], $0x1  }
0xa9: {  	[sflag:s23] =	ssyncset.done $0x0  }
0xaa: {  	s25 =	simm.s32 $0x1B8E;
	s24 =	sld [smem:$0x3FFE];
	[sflag:s23] =	ssyncadd.s32 $0xFFFFFFFF  }
0xab: {  	s26 =	simm.s32 $execute0_lowered;
	[smem:$0x3FD2] =	sst s25  }
0xac: {  	s5 =	sshll.u32 s26, $0x1;
	_ =	strace $0x80000046;
	[dreg:$0x1] =	wrdreg $0xFFFFFFFF  }
0xad: {  	s28 =	simm.s32 $_size_execute0_lowered;
	s3 =	sadd.s32 s3, s5;
	[dreg:$0x0] =	wrdreg $0x0  }
0xae: {  	s5 =	sshll.u32 s28, $0x1;
	[dreg:$0x2] =	wrdreg s3  }
0xaf: {  	[dreg:$0x3] =	wrdreg s5  }
0xb0: {  	[dreg:$0x4] =	wrdreg $0xC0  }
0xb1: {  	_ =	task [dreg:s7], $0x5FFFF  }
0xb2: {  	[dreg:$0x1] =	wrdreg $0xFFFFFFFF  }
0xb3: {  	[dreg:$0x0] =	wrdreg $0x60  }
0xb4: {  	[dreg:$0x2] =	wrdreg s16  }
0xb5: {  	[dreg:$0x3] =	wrdreg s24  }
0xb6: {  	[dreg:$0x4] =	wrdreg $0x9  }
0xb7: {  	_ =	task.clear_ibuf [dreg:s7], $0x5FFFF;
	_ =	strace $0x90000046  }
0xb8: {  	s29 =	simm.s32 $0x9;
	_ =	strace $0x80000048  }
0xb9: {  	_ =	swait.ge [sflag:s29], $0x1  }
0xba: {  	[sflag:s29] =	ssyncadd.s32 $0xFFFFFFFF  }
0xbb: {  	_ =	strace $0x90000048  }
0xbc: {  	_ =	sfence  }
0xbd: {  	s30 =	sld [smem:$0x0];
	_ =	sdelay $0x2  }
0xbe: {  	s31 =	sshll.u32 s1, $0xD;
	s1 =	sshrl.u32 s1, $0x2  }
0xbf: {  	s3 =	sand.u32 $0x4000, s31;
	s1 =	sadd.s32 s1, s30  }
0xc0: {  	s0 =	sor.u32 s3, s0;
	s1 =	sshll.u32 s1, $0x11  }
0xc1: {  	s0 =	sor.u32 s1, s0  }
0xc2: {  	s0 =	sadd.s32 $0x8F2B, s0  }
0xc3: {  	[sflag:s0] =	ssyncadd.remote.s32 $0x1  }
0xc4: {  	_ =	sfence.sel $0xFFFF  }
0xc5: {  	[dreg:$0x0] =	wrdreg $0xFFFFFFFF;
	(pc) =	sbr.abs _section_cstart, $3  }
0xc6: {  	[dreg:$0x1] =	wrdreg $0xFFFFFFFF  }
0xc7: {  	_ =	task.clear_ibuf [dreg:s7], $0x2FFFF;
	_ =	strace $0x9FFFFFFF  }
0xc8: {  	(tm) =	ssettm $0x7FFFFFFF  }
0xc9: {  	_ =	shalt  }
tec
execute0_lowered:
.L_overlay_start_1:
0x0: {  	(tag) =	ssettag $0x1  }
0x1: {  	s4 =	rddreg [dreg:$0x0]  }
0x2: {  	s5 =	rddreg [dreg:$0x1]  }
0x3: {  	s0 =	rddreg [dreg:$0x2];
	s1 =	simm.s32 $0x0  }
0x4: {  	s6 =	srdreg.scid;
	s2 =	stileid.u32;
	s10 =	simm.s32 $0x0  }
0x5: {  	[smem:$0x7FF] =	sst s1;
	s3 =	sadd.s32 $0xC00, s5;
	s6 =	sand.u32 $0x1, s6  }
0x6: {  	s7 =	sshll.u32 s2, $0x9;
	_ =	strace $0x80000047;
	s8 =	ssub.s32 $0x2, s6  }
0x7: {  	s6 =	sshll.u32 s6, $0x8;
	s5 =	sadd.s32 s7, s5;
	s9 =	sshrl.u32 s8, $0x1  }
0x8: {  	s7 =	sor.u32 s6, s7;
	s6 =	sadd.s32 s6, s5;
	s8 =	ssub.s32 s8, s9  }
0x9: {  	s4 =	sadd.s32 s4, s7;
	s6 =	sadd.s32 $0x1400, s6;
	s7 =	simm.s32 $0x1  }
0xa: {  	s9 =	simm.s32 $0x4800;
	s5 =	smax.u32 s8, $0x1;
	s8 =	simm.s32 $0x800  }
.LBB2_1:
0xb: {  	[tilespmem:s1], [sflag:$0x1] =	stream.linear.gather [hbm4b:s4+s1], $0x800, $0x38;
	[tilespmem:$0x5000] =	vst v63  }
0xc: {  	_ =	swait.ge [sflag:s7], $0x800  }
0xd: {  	[sflag:s7] =	ssyncset.done $0x0  }
0xe: {  	[sflag:s7] =	ssyncadd.s32 $0xFFFFF800  }
0xf: {  	[tilespmem:s8], [sflag:$0x1] =	stream.linear.gather [hbm4b:s3+s1], $0x4000, $0x38;
	[tilespmem:$0x5000] =	vst v63  }
0x10: {  	_ =	swait.ge [sflag:s7], $0x4000  }
0x11: {  	[sflag:s7] =	ssyncset.done $0x0  }
0x12: {  	s11 =	simm.s32 $0xA00;
	s12 =	simm.s32 $0x0;
	[sflag:s7] =	ssyncadd.s32 $0xFFFFC000  }
.LBB2_2:
0x13: {  	v0 =	vld [tilespmem:s11+$0xFFFFFE00];
	_ =	sdelay $0x7  }
0x14: {  	v0 =	vld.idx.msk [tilespmem:v0+s1+$0x0], $0xffff;
	_ =	sdelay $0x4  }
0x15: {  	[tilespmem:$0x4800] =	vst v0  }
0x16: {  	v0 =	vld [tilespmem:s11+$0xFFFFFE10];
	_ =	sdelay $0x7  }
0x17: {  	v0 =	vld.idx.msk [tilespmem:v0+s1+$0x0], $0xffff;
	_ =	sdelay $0x4  }
0x18: {  	[tilespmem:$0x4810] =	vst v0  }
0x19: {  	v0 =	vld [tilespmem:s11+$0xFFFFFE20];
	_ =	sdelay $0x7  }
0x1a: {  	v0 =	vld.idx.msk [tilespmem:v0+s1+$0x0], $0xffff;
	_ =	sdelay $0x4  }
0x1b: {  	[tilespmem:$0x4820] =	vst v0  }
0x1c: {  	v0 =	vld [tilespmem:s11+$0xFFFFFE30];
	_ =	sdelay $0x7  }
0x1d: {  	v0 =	vld.idx.msk [tilespmem:v0+s1+$0x0], $0xffff;
	_ =	sdelay $0x4  }
0x1e: {  	[tilespmem:$0x4830] =	vst v0  }
0x1f: {  	v0 =	vld [tilespmem:s11+$0xFFFFFE40];
	_ =	sdelay $0x7  }
0x20: {  	v0 =	vld.idx.msk [tilespmem:v0+s1+$0x0], $0xffff;
	_ =	sdelay $0x4  }
0x21: {  	[tilespmem:$0x4840] =	vst v0  }
0x22: {  	v0 =	vld [tilespmem:s11+$0xFFFFFE50];
	_ =	sdelay $0x7  }
0x23: {  	v0 =	vld.idx.msk [tilespmem:v0+s1+$0x0], $0xffff;
	_ =	sdelay $0x4  }
0x24: {  	[tilespmem:$0x4850] =	vst v0  }
0x25: {  	v0 =	vld [tilespmem:s11+$0xFFFFFE60];
	_ =	sdelay $0x7  }
0x26: {  	v0 =	vld.idx.msk [tilespmem:v0+s1+$0x0], $0xffff;
	_ =	sdelay $0x4  }
0x27: {  	[tilespmem:$0x4860] =	vst v0  }
0x28: {  	v0 =	vld [tilespmem:s11+$0xFFFFFE70];
	_ =	sdelay $0x7  }
0x29: {  	v0 =	vld.idx.msk [tilespmem:v0+s1+$0x0], $0xffff;
	_ =	sdelay $0x4  }
0x2a: {  	[tilespmem:$0x4870] =	vst v0  }
0x2b: {  	v0 =	vld [tilespmem:s11+$0xFFFFFE80];
	_ =	sdelay $0x7  }
0x2c: {  	v0 =	vld.idx.msk [tilespmem:v0+s1+$0x0], $0xffff;
	_ =	sdelay $0x4  }
0x2d: {  	[tilespmem:$0x4880] =	vst v0  }
0x2e: {  	v0 =	vld [tilespmem:s11+$0xFFFFFE90];
	_ =	sdelay $0x7  }
0x2f: {  	v0 =	vld.idx.msk [tilespmem:v0+s1+$0x0], $0xffff;
	_ =	sdelay $0x4  }
0x30: {  	[tilespmem:$0x4890] =	vst v0  }
0x31: {  	v0 =	vld [tilespmem:s11+$0xFFFFFEA0];
	_ =	sdelay $0x7  }
0x32: {  	v0 =	vld.idx.msk [tilespmem:v0+s1+$0x0], $0xffff;
	_ =	sdelay $0x4  }
0x33: {  	[tilespmem:$0x48A0] =	vst v0  }
0x34: {  	v0 =	vld [tilespmem:s11+$0xFFFFFEB0];
	_ =	sdelay $0x7  }
0x35: {  	v0 =	vld.idx.msk [tilespmem:v0+s1+$0x0], $0xffff;
	_ =	sdelay $0x4  }
0x36: {  	[tilespmem:$0x48B0] =	vst v0  }
0x37: {  	v0 =	vld [tilespmem:s11+$0xFFFFFEC0];
	_ =	sdelay $0x7  }
0x38: {  	v0 =	vld.idx.msk [tilespmem:v0+s1+$0x0], $0xffff;
	_ =	sdelay $0x4  }
0x39: {  	[tilespmem:$0x48C0] =	vst v0  }
0x3a: {  	v0 =	vld [tilespmem:s11+$0xFFFFFED0];
	_ =	sdelay $0x7  }
0x3b: {  	v0 =	vld.idx.msk [tilespmem:v0+s1+$0x0], $0xffff;
	_ =	sdelay $0x4  }
0x3c: {  	[tilespmem:$0x48D0] =	vst v0  }
0x3d: {  	v0 =	vld [tilespmem:s11+$0xFFFFFEE0];
	_ =	sdelay $0x7  }
0x3e: {  	v0 =	vld.idx.msk [tilespmem:v0+s1+$0x0], $0xffff;
	_ =	sdelay $0x4  }
0x3f: {  	[tilespmem:$0x48E0] =	vst v0  }
0x40: {  	v0 =	vld [tilespmem:s11+$0xFFFFFEF0];
	_ =	sdelay $0x7  }
0x41: {  	v0 =	vld.idx.msk [tilespmem:v0+s1+$0x0], $0xffff;
	_ =	sdelay $0x4  }
0x42: {  	[tilespmem:$0x48F0] =	vst v0  }
0x43: {  	v0 =	vld [tilespmem:s11+$0xFFFFFF00];
	_ =	sdelay $0x7  }
0x44: {  	v0 =	vld.idx.msk [tilespmem:v0+s1+$0x0], $0xffff;
	_ =	sdelay $0x4  }
0x45: {  	[tilespmem:$0x4900] =	vst v0  }
0x46: {  	v0 =	vld [tilespmem:s11+$0xFFFFFF10];
	_ =	sdelay $0x7  }
0x47: {  	v0 =	vld.idx.msk [tilespmem:v0+s1+$0x0], $0xffff;
	_ =	sdelay $0x4  }
0x48: {  	[tilespmem:$0x4910] =	vst v0  }
0x49: {  	v0 =	vld [tilespmem:s11+$0xFFFFFF20];
	_ =	sdelay $0x7  }
0x4a: {  	v0 =	vld.idx.msk [tilespmem:v0+s1+$0x0], $0xffff;
	_ =	sdelay $0x4  }
0x4b: {  	[tilespmem:$0x4920] =	vst v0  }
0x4c: {  	v0 =	vld [tilespmem:s11+$0xFFFFFF30];
	_ =	sdelay $0x7  }
0x4d: {  	v0 =	vld.idx.msk [tilespmem:v0+s1+$0x0], $0xffff;
	_ =	sdelay $0x4  }
0x4e: {  	[tilespmem:$0x4930] =	vst v0  }
0x4f: {  	v0 =	vld [tilespmem:s11+$0xFFFFFF40];
	_ =	sdelay $0x7  }
0x50: {  	v0 =	vld.idx.msk [tilespmem:v0+s1+$0x0], $0xffff;
	_ =	sdelay $0x4  }
0x51: {  	[tilespmem:$0x4940] =	vst v0  }
0x52: {  	v0 =	vld [tilespmem:s11+$0xFFFFFF50];
	_ =	sdelay $0x7  }
0x53: {  	v0 =	vld.idx.msk [tilespmem:v0+s1+$0x0], $0xffff;
	_ =	sdelay $0x4  }
0x54: {  	[tilespmem:$0x4950] =	vst v0  }
0x55: {  	v0 =	vld [tilespmem:s11+$0xFFFFFF60];
	_ =	sdelay $0x7  }
0x56: {  	v0 =	vld.idx.msk [tilespmem:v0+s1+$0x0], $0xffff;
	_ =	sdelay $0x4  }
0x57: {  	[tilespmem:$0x4960] =	vst v0  }
0x58: {  	v0 =	vld [tilespmem:s11+$0xFFFFFF70];
	_ =	sdelay $0x7  }
0x59: {  	v0 =	vld.idx.msk [tilespmem:v0+s1+$0x0], $0xffff;
	_ =	sdelay $0x4  }
0x5a: {  	[tilespmem:$0x4970] =	vst v0  }
0x5b: {  	v0 =	vld [tilespmem:s11+$0xFFFFFF80];
	_ =	sdelay $0x7  }
0x5c: {  	v0 =	vld.idx.msk [tilespmem:v0+s1+$0x0], $0xffff;
	_ =	sdelay $0x4  }
0x5d: {  	[tilespmem:$0x4980] =	vst v0  }
0x5e: {  	v0 =	vld [tilespmem:s11+$0xFFFFFF90];
	_ =	sdelay $0x7  }
0x5f: {  	v0 =	vld.idx.msk [tilespmem:v0+s1+$0x0], $0xffff;
	_ =	sdelay $0x4  }
0x60: {  	[tilespmem:$0x4990] =	vst v0  }
0x61: {  	v0 =	vld [tilespmem:s11+$0xFFFFFFA0];
	_ =	sdelay $0x7  }
0x62: {  	v0 =	vld.idx.msk [tilespmem:v0+s1+$0x0], $0xffff;
	_ =	sdelay $0x4  }
0x63: {  	[tilespmem:$0x49A0] =	vst v0  }
0x64: {  	v0 =	vld [tilespmem:s11+$0xFFFFFFB0];
	_ =	sdelay $0x7  }
0x65: {  	v0 =	vld.idx.msk [tilespmem:v0+s1+$0x0], $0xffff;
	_ =	sdelay $0x4  }
0x66: {  	[tilespmem:$0x49B0] =	vst v0  }
0x67: {  	v0 =	vld [tilespmem:s11+$0xFFFFFFC0];
	_ =	sdelay $0x7  }
0x68: {  	v0 =	vld.idx.msk [tilespmem:v0+s1+$0x0], $0xffff;
	_ =	sdelay $0x4  }
0x69: {  	[tilespmem:$0x49C0] =	vst v0  }
0x6a: {  	v0 =	vld [tilespmem:s11+$0xFFFFFFD0];
	_ =	sdelay $0x7  }
0x6b: {  	v0 =	vld.idx.msk [tilespmem:v0+s1+$0x0], $0xffff;
	_ =	sdelay $0x4  }
0x6c: {  	[tilespmem:$0x49D0] =	vst v0  }
0x6d: {  	v0 =	vld [tilespmem:s11+$0xFFFFFFE0];
	_ =	sdelay $0x7  }
0x6e: {  	v0 =	vld.idx.msk [tilespmem:v0+s1+$0x0], $0xffff;
	_ =	sdelay $0x4  }
0x6f: {  	[tilespmem:$0x49E0] =	vst v0  }
0x70: {  	v0 =	vld [tilespmem:s11+$0xFFFFFFF0];
	_ =	sdelay $0x7  }
0x71: {  	v0 =	vld.idx.msk [tilespmem:v0+s1+$0x0], $0xffff;
	_ =	sdelay $0x4  }
0x72: {  	[tilespmem:$0x49F0] =	vst v0  }
0x73: {  	v0 =	vld [tilespmem:s11+$0x0];
	_ =	sdelay $0x7  }
0x74: {  	v0 =	vld.idx.msk [tilespmem:v0+s1+$0x0], $0xffff;
	_ =	sdelay $0x4  }
0x75: {  	[tilespmem:$0x4A00] =	vst v0  }
0x76: {  	v0 =	vld [tilespmem:s11+$0x10];
	_ =	sdelay $0x7  }
0x77: {  	v0 =	vld.idx.msk [tilespmem:v0+s1+$0x0], $0xffff;
	_ =	sdelay $0x4  }
0x78: {  	[tilespmem:$0x4A10] =	vst v0  }
0x79: {  	v0 =	vld [tilespmem:s11+$0x20];
	_ =	sdelay $0x7  }
0x7a: {  	v0 =	vld.idx.msk [tilespmem:v0+s1+$0x0], $0xffff;
	_ =	sdelay $0x4  }
0x7b: {  	[tilespmem:$0x4A20] =	vst v0  }
0x7c: {  	v0 =	vld [tilespmem:s11+$0x30];
	_ =	sdelay $0x7  }
0x7d: {  	v0 =	vld.idx.msk [tilespmem:v0+s1+$0x0], $0xffff;
	_ =	sdelay $0x4  }
0x7e: {  	[tilespmem:$0x4A30] =	vst v0  }
0x7f: {  	v0 =	vld [tilespmem:s11+$0x40];
	_ =	sdelay $0x7  }
0x80: {  	v0 =	vld.idx.msk [tilespmem:v0+s1+$0x0], $0xffff;
	_ =	sdelay $0x4  }
0x81: {  	[tilespmem:$0x4A40] =	vst v0  }
0x82: {  	v0 =	vld [tilespmem:s11+$0x50];
	_ =	sdelay $0x7  }
0x83: {  	v0 =	vld.idx.msk [tilespmem:v0+s1+$0x0], $0xffff;
	_ =	sdelay $0x4  }
0x84: {  	[tilespmem:$0x4A50] =	vst v0  }
0x85: {  	v0 =	vld [tilespmem:s11+$0x60];
	_ =	sdelay $0x7  }
0x86: {  	v0 =	vld.idx.msk [tilespmem:v0+s1+$0x0], $0xffff;
	_ =	sdelay $0x4  }
0x87: {  	[tilespmem:$0x4A60] =	vst v0  }
0x88: {  	v0 =	vld [tilespmem:s11+$0x70];
	_ =	sdelay $0x7  }
0x89: {  	v0 =	vld.idx.msk [tilespmem:v0+s1+$0x0], $0xffff;
	_ =	sdelay $0x4  }
0x8a: {  	[tilespmem:$0x4A70] =	vst v0  }
0x8b: {  	v0 =	vld [tilespmem:s11+$0x80];
	_ =	sdelay $0x7  }
0x8c: {  	v0 =	vld.idx.msk [tilespmem:v0+s1+$0x0], $0xffff;
	_ =	sdelay $0x4  }
0x8d: {  	[tilespmem:$0x4A80] =	vst v0  }
0x8e: {  	v0 =	vld [tilespmem:s11+$0x90];
	_ =	sdelay $0x7  }
0x8f: {  	v0 =	vld.idx.msk [tilespmem:v0+s1+$0x0], $0xffff;
	_ =	sdelay $0x4  }
0x90: {  	[tilespmem:$0x4A90] =	vst v0  }
0x91: {  	v0 =	vld [tilespmem:s11+$0xA0];
	_ =	sdelay $0x7  }
0x92: {  	v0 =	vld.idx.msk [tilespmem:v0+s1+$0x0], $0xffff;
	_ =	sdelay $0x4  }
0x93: {  	[tilespmem:$0x4AA0] =	vst v0  }
0x94: {  	v0 =	vld [tilespmem:s11+$0xB0];
	_ =	sdelay $0x7  }
0x95: {  	v0 =	vld.idx.msk [tilespmem:v0+s1+$0x0], $0xffff;
	_ =	sdelay $0x4  }
0x96: {  	[tilespmem:$0x4AB0] =	vst v0  }
0x97: {  	v0 =	vld [tilespmem:s11+$0xC0];
	_ =	sdelay $0x7  }
0x98: {  	v0 =	vld.idx.msk [tilespmem:v0+s1+$0x0], $0xffff;
	_ =	sdelay $0x4  }
0x99: {  	[tilespmem:$0x4AC0] =	vst v0  }
0x9a: {  	v0 =	vld [tilespmem:s11+$0xD0];
	_ =	sdelay $0x7  }
0x9b: {  	v0 =	vld.idx.msk [tilespmem:v0+s1+$0x0], $0xffff;
	_ =	sdelay $0x4  }
0x9c: {  	[tilespmem:$0x4AD0] =	vst v0  }
0x9d: {  	v0 =	vld [tilespmem:s11+$0xE0];
	_ =	sdelay $0x7  }
0x9e: {  	v0 =	vld.idx.msk [tilespmem:v0+s1+$0x0], $0xffff;
	_ =	sdelay $0x4  }
0x9f: {  	[tilespmem:$0x4AE0] =	vst v0  }
0xa0: {  	v0 =	vld [tilespmem:s11+$0xF0];
	_ =	sdelay $0x7  }
0xa1: {  	v0 =	vld.idx.msk [tilespmem:v0+s1+$0x0], $0xffff;
	_ =	sdelay $0x4  }
0xa2: {  	[tilespmem:$0x4AF0] =	vst v0  }
0xa3: {  	v0 =	vld [tilespmem:s11+$0x100];
	_ =	sdelay $0x7  }
0xa4: {  	v0 =	vld.idx.msk [tilespmem:v0+s1+$0x0], $0xffff;
	_ =	sdelay $0x4  }
0xa5: {  	[tilespmem:$0x4B00] =	vst v0  }
0xa6: {  	v0 =	vld [tilespmem:s11+$0x110];
	_ =	sdelay $0x7  }
0xa7: {  	v0 =	vld.idx.msk [tilespmem:v0+s1+$0x0], $0xffff;
	_ =	sdelay $0x4  }
0xa8: {  	[tilespmem:$0x4B10] =	vst v0  }
0xa9: {  	v0 =	vld [tilespmem:s11+$0x120];
	_ =	sdelay $0x7  }
0xaa: {  	v0 =	vld.idx.msk [tilespmem:v0+s1+$0x0], $0xffff;
	_ =	sdelay $0x4  }
0xab: {  	[tilespmem:$0x4B20] =	vst v0  }
0xac: {  	v0 =	vld [tilespmem:s11+$0x130];
	_ =	sdelay $0x7  }
0xad: {  	v0 =	vld.idx.msk [tilespmem:v0+s1+$0x0], $0xffff;
	_ =	sdelay $0x4  }
0xae: {  	[tilespmem:$0x4B30] =	vst v0  }
0xaf: {  	v0 =	vld [tilespmem:s11+$0x140];
	_ =	sdelay $0x7  }
0xb0: {  	v0 =	vld.idx.msk [tilespmem:v0+s1+$0x0], $0xffff;
	_ =	sdelay $0x4  }
0xb1: {  	[tilespmem:$0x4B40] =	vst v0  }
0xb2: {  	v0 =	vld [tilespmem:s11+$0x150];
	_ =	sdelay $0x7  }
0xb3: {  	v0 =	vld.idx.msk [tilespmem:v0+s1+$0x0], $0xffff;
	_ =	sdelay $0x4  }
0xb4: {  	[tilespmem:$0x4B50] =	vst v0  }
0xb5: {  	v0 =	vld [tilespmem:s11+$0x160];
	_ =	sdelay $0x7  }
0xb6: {  	v0 =	vld.idx.msk [tilespmem:v0+s1+$0x0], $0xffff;
	_ =	sdelay $0x4  }
0xb7: {  	[tilespmem:$0x4B60] =	vst v0  }
0xb8: {  	v0 =	vld [tilespmem:s11+$0x170];
	_ =	sdelay $0x7  }
0xb9: {  	v0 =	vld.idx.msk [tilespmem:v0+s1+$0x0], $0xffff;
	_ =	sdelay $0x4  }
0xba: {  	[tilespmem:$0x4B70] =	vst v0  }
0xbb: {  	v0 =	vld [tilespmem:s11+$0x180];
	_ =	sdelay $0x7  }
0xbc: {  	v0 =	vld.idx.msk [tilespmem:v0+s1+$0x0], $0xffff;
	_ =	sdelay $0x4  }
0xbd: {  	[tilespmem:$0x4B80] =	vst v0  }
0xbe: {  	v0 =	vld [tilespmem:s11+$0x190];
	_ =	sdelay $0x7  }
0xbf: {  	v0 =	vld.idx.msk [tilespmem:v0+s1+$0x0], $0xffff;
	_ =	sdelay $0x4  }
0xc0: {  	[tilespmem:$0x4B90] =	vst v0  }
0xc1: {  	v0 =	vld [tilespmem:s11+$0x1A0];
	_ =	sdelay $0x7  }
0xc2: {  	v0 =	vld.idx.msk [tilespmem:v0+s1+$0x0], $0xffff;
	_ =	sdelay $0x4  }
0xc3: {  	[tilespmem:$0x4BA0] =	vst v0  }
0xc4: {  	v0 =	vld [tilespmem:s11+$0x1B0];
	_ =	sdelay $0x7  }
0xc5: {  	v0 =	vld.idx.msk [tilespmem:v0+s1+$0x0], $0xffff;
	_ =	sdelay $0x4  }
0xc6: {  	[tilespmem:$0x4BB0] =	vst v0  }
0xc7: {  	v0 =	vld [tilespmem:s11+$0x1C0];
	_ =	sdelay $0x7  }
0xc8: {  	v0 =	vld.idx.msk [tilespmem:v0+s1+$0x0], $0xffff;
	_ =	sdelay $0x4  }
0xc9: {  	[tilespmem:$0x4BC0] =	vst v0  }
0xca: {  	v0 =	vld [tilespmem:s11+$0x1D0];
	_ =	sdelay $0x7  }
0xcb: {  	v0 =	vld.idx.msk [tilespmem:v0+s1+$0x0], $0xffff;
	_ =	sdelay $0x4  }
0xcc: {  	[tilespmem:$0x4BD0] =	vst v0  }
0xcd: {  	v0 =	vld [tilespmem:s11+$0x1E0];
	_ =	sdelay $0x7  }
0xce: {  	v0 =	vld.idx.msk [tilespmem:v0+s1+$0x0], $0xffff;
	_ =	sdelay $0x4  }
0xcf: {  	[tilespmem:$0x4BE0] =	vst v0  }
0xd0: {  	v0 =	vld [tilespmem:s11+$0x1F0];
	_ =	sdelay $0x7  }
0xd1: {  	v0 =	vld.idx.msk [tilespmem:v0+s1+$0x0], $0xffff;
	_ =	sdelay $0x4  }
0xd2: {  	[tilespmem:$0x4BF0] =	vst v0  }
0xd3: {  	v0 =	vld [tilespmem:s11+$0xFFFFFE00];
	_ =	sdelay $0x4  }
0xd4: {  	v0 =	vadd.s32 $0x400, v0;
	_ =	sdelay $0x4  }
0xd5: {  	v0 =	vld.idx.msk [tilespmem:v0+s1+$0x0], $0xffff;
	_ =	sdelay $0x4  }
0xd6: {  	[tilespmem:$0x4C00] =	vst v0  }
0xd7: {  	v0 =	vld [tilespmem:s11+$0xFFFFFE10];
	_ =	sdelay $0x4  }
0xd8: {  	v0 =	vadd.s32 $0x400, v0;
	_ =	sdelay $0x4  }
0xd9: {  	v0 =	vld.idx.msk [tilespmem:v0+s1+$0x0], $0xffff;
	_ =	sdelay $0x4  }
0xda: {  	[tilespmem:$0x4C10] =	vst v0  }
0xdb: {  	v0 =	vld [tilespmem:s11+$0xFFFFFE20];
	_ =	sdelay $0x4  }
0xdc: {  	v0 =	vadd.s32 $0x400, v0;
	_ =	sdelay $0x4  }
0xdd: {  	v0 =	vld.idx.msk [tilespmem:v0+s1+$0x0], $0xffff;
	_ =	sdelay $0x4  }
0xde: {  	[tilespmem:$0x4C20] =	vst v0  }
0xdf: {  	v0 =	vld [tilespmem:s11+$0xFFFFFE30];
	_ =	sdelay $0x4  }
0xe0: {  	v0 =	vadd.s32 $0x400, v0;
	_ =	sdelay $0x4  }
0xe1: {  	v0 =	vld.idx.msk [tilespmem:v0+s1+$0x0], $0xffff;
	_ =	sdelay $0x4  }
0xe2: {  	[tilespmem:$0x4C30] =	vst v0  }
0xe3: {  	v0 =	vld [tilespmem:s11+$0xFFFFFE40];
	_ =	sdelay $0x4  }
0xe4: {  	v0 =	vadd.s32 $0x400, v0;
	_ =	sdelay $0x4  }
0xe5: {  	v0 =	vld.idx.msk [tilespmem:v0+s1+$0x0], $0xffff;
	_ =	sdelay $0x4  }
0xe6: {  	[tilespmem:$0x4C40] =	vst v0  }
0xe7: {  	v0 =	vld [tilespmem:s11+$0xFFFFFE50];
	_ =	sdelay $0x4  }
0xe8: {  	v0 =	vadd.s32 $0x400, v0;
	_ =	sdelay $0x4  }
0xe9: {  	v0 =	vld.idx.msk [tilespmem:v0+s1+$0x0], $0xffff;
	_ =	sdelay $0x4  }
0xea: {  	[tilespmem:$0x4C50] =	vst v0  }
0xeb: {  	v0 =	vld [tilespmem:s11+$0xFFFFFE60];
	_ =	sdelay $0x4  }
0xec: {  	v0 =	vadd.s32 $0x400, v0;
	_ =	sdelay $0x4  }
0xed: {  	v0 =	vld.idx.msk [tilespmem:v0+s1+$0x0], $0xffff;
	_ =	sdelay $0x4  }
0xee: {  	[tilespmem:$0x4C60] =	vst v0  }
0xef: {  	v0 =	vld [tilespmem:s11+$0xFFFFFE70];
	_ =	sdelay $0x4  }
0xf0: {  	v0 =	vadd.s32 $0x400, v0;
	_ =	sdelay $0x4  }
0xf1: {  	v0 =	vld.idx.msk [tilespmem:v0+s1+$0x0], $0xffff;
	_ =	sdelay $0x4  }
0xf2: {  	[tilespmem:$0x4C70] =	vst v0  }
0xf3: {  	v0 =	vld [tilespmem:s11+$0xFFFFFE80];
	_ =	sdelay $0x4  }
0xf4: {  	v0 =	vadd.s32 $0x400, v0;
	_ =	sdelay $0x4  }
0xf5: {  	v0 =	vld.idx.msk [tilespmem:v0+s1+$0x0], $0xffff;
	_ =	sdelay $0x4  }
0xf6: {  	[tilespmem:$0x4C80] =	vst v0  }
0xf7: {  	v0 =	vld [tilespmem:s11+$0xFFFFFE90];
	_ =	sdelay $0x4  }
0xf8: {  	v0 =	vadd.s32 $0x400, v0;
	_ =	sdelay $0x4  }
0xf9: {  	v0 =	vld.idx.msk [tilespmem:v0+s1+$0x0], $0xffff;
	_ =	sdelay $0x4  }
0xfa: {  	[tilespmem:$0x4C90] =	vst v0  }
0xfb: {  	v0 =	vld [tilespmem:s11+$0xFFFFFEA0];
	_ =	sdelay $0x4  }
0xfc: {  	v0 =	vadd.s32 $0x400, v0;
	_ =	sdelay $0x4  }
0xfd: {  	v0 =	vld.idx.msk [tilespmem:v0+s1+$0x0], $0xffff;
	_ =	sdelay $0x4  }
0xfe: {  	[tilespmem:$0x4CA0] =	vst v0  }
0xff: {  	v0 =	vld [tilespmem:s11+$0xFFFFFEB0];
	_ =	sdelay $0x4  }
0x100: {  	v0 =	vadd.s32 $0x400, v0;
	_ =	sdelay $0x4  }
0x101: {  	v0 =	vld.idx.msk [tilespmem:v0+s1+$0x0], $0xffff;
	_ =	sdelay $0x4  }
0x102: {  	[tilespmem:$0x4CB0] =	vst v0  }
0x103: {  	v0 =	vld [tilespmem:s11+$0xFFFFFEC0];
	_ =	sdelay $0x4  }
0x104: {  	v0 =	vadd.s32 $0x400, v0;
	_ =	sdelay $0x4  }
0x105: {  	v0 =	vld.idx.msk [tilespmem:v0+s1+$0x0], $0xffff;
	_ =	sdelay $0x4  }
0x106: {  	[tilespmem:$0x4CC0] =	vst v0  }
0x107: {  	v0 =	vld [tilespmem:s11+$0xFFFFFED0];
	_ =	sdelay $0x4  }
0x108: {  	v0 =	vadd.s32 $0x400, v0;
	_ =	sdelay $0x4  }
0x109: {  	v0 =	vld.idx.msk [tilespmem:v0+s1+$0x0], $0xffff;
	_ =	sdelay $0x4  }
0x10a: {  	[tilespmem:$0x4CD0] =	vst v0  }
0x10b: {  	v0 =	vld [tilespmem:s11+$0xFFFFFEE0];
	_ =	sdelay $0x4  }
0x10c: {  	v0 =	vadd.s32 $0x400, v0;
	_ =	sdelay $0x4  }
0x10d: {  	v0 =	vld.idx.msk [tilespmem:v0+s1+$0x0], $0xffff;
	_ =	sdelay $0x4  }
0x10e: {  	[tilespmem:$0x4CE0] =	vst v0  }
0x10f: {  	v0 =	vld [tilespmem:s11+$0xFFFFFEF0];
	_ =	sdelay $0x4  }
0x110: {  	v0 =	vadd.s32 $0x400, v0;
	_ =	sdelay $0x4  }
0x111: {  	v0 =	vld.idx.msk [tilespmem:v0+s1+$0x0], $0xffff;
	_ =	sdelay $0x4  }
0x112: {  	[tilespmem:$0x4CF0] =	vst v0  }
0x113: {  	v0 =	vld [tilespmem:s11+$0xFFFFFF00];
	_ =	sdelay $0x4  }
0x114: {  	v0 =	vadd.s32 $0x400, v0;
	_ =	sdelay $0x4  }
0x115: {  	v0 =	vld.idx.msk [tilespmem:v0+s1+$0x0], $0xffff;
	_ =	sdelay $0x4  }
0x116: {  	[tilespmem:$0x4D00] =	vst v0  }
0x117: {  	v0 =	vld [tilespmem:s11+$0xFFFFFF10];
	_ =	sdelay $0x4  }
0x118: {  	v0 =	vadd.s32 $0x400, v0;
	_ =	sdelay $0x4  }
0x119: {  	v0 =	vld.idx.msk [tilespmem:v0+s1+$0x0], $0xffff;
	_ =	sdelay $0x4  }
0x11a: {  	[tilespmem:$0x4D10] =	vst v0  }
0x11b: {  	v0 =	vld [tilespmem:s11+$0xFFFFFF20];
	_ =	sdelay $0x4  }
0x11c: {  	v0 =	vadd.s32 $0x400, v0;
	_ =	sdelay $0x4  }
0x11d: {  	v0 =	vld.idx.msk [tilespmem:v0+s1+$0x0], $0xffff;
	_ =	sdelay $0x4  }
0x11e: {  	[tilespmem:$0x4D20] =	vst v0  }
0x11f: {  	v0 =	vld [tilespmem:s11+$0xFFFFFF30];
	_ =	sdelay $0x4  }
0x120: {  	v0 =	vadd.s32 $0x400, v0;
	_ =	sdelay $0x4  }
0x121: {  	v0 =	vld.idx.msk [tilespmem:v0+s1+$0x0], $0xffff;
	_ =	sdelay $0x4  }
0x122: {  	[tilespmem:$0x4D30] =	vst v0  }
0x123: {  	v0 =	vld [tilespmem:s11+$0xFFFFFF40];
	_ =	sdelay $0x4  }
0x124: {  	v0 =	vadd.s32 $0x400, v0;
	_ =	sdelay $0x4  }
0x125: {  	v0 =	vld.idx.msk [tilespmem:v0+s1+$0x0], $0xffff;
	_ =	sdelay $0x4  }
0x126: {  	[tilespmem:$0x4D40] =	vst v0  }
0x127: {  	v0 =	vld [tilespmem:s11+$0xFFFFFF50];
	_ =	sdelay $0x4  }
0x128: {  	v0 =	vadd.s32 $0x400, v0;
	_ =	sdelay $0x4  }
0x129: {  	v0 =	vld.idx.msk [tilespmem:v0+s1+$0x0], $0xffff;
	_ =	sdelay $0x4  }
0x12a: {  	[tilespmem:$0x4D50] =	vst v0  }
0x12b: {  	v0 =	vld [tilespmem:s11+$0xFFFFFF60];
	_ =	sdelay $0x4  }
0x12c: {  	v0 =	vadd.s32 $0x400, v0;
	_ =	sdelay $0x4  }
0x12d: {  	v0 =	vld.idx.msk [tilespmem:v0+s1+$0x0], $0xffff;
	_ =	sdelay $0x4  }
0x12e: {  	[tilespmem:$0x4D60] =	vst v0  }
0x12f: {  	v0 =	vld [tilespmem:s11+$0xFFFFFF70];
	_ =	sdelay $0x4  }
0x130: {  	v0 =	vadd.s32 $0x400, v0;
	_ =	sdelay $0x4  }
0x131: {  	v0 =	vld.idx.msk [tilespmem:v0+s1+$0x0], $0xffff;
	_ =	sdelay $0x4  }
0x132: {  	[tilespmem:$0x4D70] =	vst v0  }
0x133: {  	v0 =	vld [tilespmem:s11+$0xFFFFFF80];
	_ =	sdelay $0x4  }
0x134: {  	v0 =	vadd.s32 $0x400, v0;
	_ =	sdelay $0x4  }
0x135: {  	v0 =	vld.idx.msk [tilespmem:v0+s1+$0x0], $0xffff;
	_ =	sdelay $0x4  }
0x136: {  	[tilespmem:$0x4D80] =	vst v0  }
0x137: {  	v0 =	vld [tilespmem:s11+$0xFFFFFF90];
	_ =	sdelay $0x4  }
0x138: {  	v0 =	vadd.s32 $0x400, v0;
	_ =	sdelay $0x4  }
0x139: {  	v0 =	vld.idx.msk [tilespmem:v0+s1+$0x0], $0xffff;
	_ =	sdelay $0x4  }
0x13a: {  	[tilespmem:$0x4D90] =	vst v0  }
0x13b: {  	v0 =	vld [tilespmem:s11+$0xFFFFFFA0];
	_ =	sdelay $0x4  }
0x13c: {  	v0 =	vadd.s32 $0x400, v0;
	_ =	sdelay $0x4  }
0x13d: {  	v0 =	vld.idx.msk [tilespmem:v0+s1+$0x0], $0xffff;
	_ =	sdelay $0x4  }
0x13e: {  	[tilespmem:$0x4DA0] =	vst v0  }
0x13f: {  	v0 =	vld [tilespmem:s11+$0xFFFFFFB0];
	_ =	sdelay $0x4  }
0x140: {  	v0 =	vadd.s32 $0x400, v0;
	_ =	sdelay $0x4  }
0x141: {  	v0 =	vld.idx.msk [tilespmem:v0+s1+$0x0], $0xffff;
	_ =	sdelay $0x4  }
0x142: {  	[tilespmem:$0x4DB0] =	vst v0  }
0x143: {  	v0 =	vld [tilespmem:s11+$0xFFFFFFC0];
	_ =	sdelay $0x4  }
0x144: {  	v0 =	vadd.s32 $0x400, v0;
	_ =	sdelay $0x4  }
0x145: {  	v0 =	vld.idx.msk [tilespmem:v0+s1+$0x0], $0xffff;
	_ =	sdelay $0x4  }
0x146: {  	[tilespmem:$0x4DC0] =	vst v0  }
0x147: {  	v0 =	vld [tilespmem:s11+$0xFFFFFFD0];
	_ =	sdelay $0x4  }
0x148: {  	v0 =	vadd.s32 $0x400, v0;
	_ =	sdelay $0x4  }
0x149: {  	v0 =	vld.idx.msk [tilespmem:v0+s1+$0x0], $0xffff;
	_ =	sdelay $0x4  }
0x14a: {  	[tilespmem:$0x4DD0] =	vst v0  }
0x14b: {  	v0 =	vld [tilespmem:s11+$0xFFFFFFE0];
	_ =	sdelay $0x4  }
0x14c: {  	v0 =	vadd.s32 $0x400, v0;
	_ =	sdelay $0x4  }
0x14d: {  	v0 =	vld.idx.msk [tilespmem:v0+s1+$0x0], $0xffff;
	_ =	sdelay $0x4  }
0x14e: {  	[tilespmem:$0x4DE0] =	vst v0  }
0x14f: {  	v0 =	vld [tilespmem:s11+$0xFFFFFFF0];
	_ =	sdelay $0x4  }
0x150: {  	v0 =	vadd.s32 $0x400, v0;
	_ =	sdelay $0x4  }
0x151: {  	v0 =	vld.idx.msk [tilespmem:v0+s1+$0x0], $0xffff;
	_ =	sdelay $0x4  }
0x152: {  	[tilespmem:$0x4DF0] =	vst v0  }
0x153: {  	v0 =	vld [tilespmem:s11+$0x0];
	_ =	sdelay $0x4  }
0x154: {  	v0 =	vadd.s32 $0x400, v0;
	_ =	sdelay $0x4  }
0x155: {  	v0 =	vld.idx.msk [tilespmem:v0+s1+$0x0], $0xffff;
	_ =	sdelay $0x4  }
0x156: {  	[tilespmem:$0x4E00] =	vst v0  }
0x157: {  	v0 =	vld [tilespmem:s11+$0x10];
	_ =	sdelay $0x4  }
0x158: {  	v0 =	vadd.s32 $0x400, v0;
	_ =	sdelay $0x4  }
0x159: {  	v0 =	vld.idx.msk [tilespmem:v0+s1+$0x0], $0xffff;
	_ =	sdelay $0x4  }
0x15a: {  	[tilespmem:$0x4E10] =	vst v0  }
0x15b: {  	v0 =	vld [tilespmem:s11+$0x20];
	_ =	sdelay $0x4  }
0x15c: {  	v0 =	vadd.s32 $0x400, v0;
	_ =	sdelay $0x4  }
0x15d: {  	v0 =	vld.idx.msk [tilespmem:v0+s1+$0x0], $0xffff;
	_ =	sdelay $0x4  }
0x15e: {  	[tilespmem:$0x4E20] =	vst v0  }
0x15f: {  	v0 =	vld [tilespmem:s11+$0x30];
	_ =	sdelay $0x4  }
0x160: {  	v0 =	vadd.s32 $0x400, v0;
	_ =	sdelay $0x4  }
0x161: {  	v0 =	vld.idx.msk [tilespmem:v0+s1+$0x0], $0xffff;
	_ =	sdelay $0x4  }
0x162: {  	[tilespmem:$0x4E30] =	vst v0  }
0x163: {  	v0 =	vld [tilespmem:s11+$0x40];
	_ =	sdelay $0x4  }
0x164: {  	v0 =	vadd.s32 $0x400, v0;
	_ =	sdelay $0x4  }
0x165: {  	v0 =	vld.idx.msk [tilespmem:v0+s1+$0x0], $0xffff;
	_ =	sdelay $0x4  }
0x166: {  	[tilespmem:$0x4E40] =	vst v0  }
0x167: {  	v0 =	vld [tilespmem:s11+$0x50];
	_ =	sdelay $0x4  }
0x168: {  	v0 =	vadd.s32 $0x400, v0;
	_ =	sdelay $0x4  }
0x169: {  	v0 =	vld.idx.msk [tilespmem:v0+s1+$0x0], $0xffff;
	_ =	sdelay $0x4  }
0x16a: {  	[tilespmem:$0x4E50] =	vst v0  }
0x16b: {  	v0 =	vld [tilespmem:s11+$0x60];
	_ =	sdelay $0x4  }
0x16c: {  	v0 =	vadd.s32 $0x400, v0;
	_ =	sdelay $0x4  }
0x16d: {  	v0 =	vld.idx.msk [tilespmem:v0+s1+$0x0], $0xffff;
	_ =	sdelay $0x4  }
0x16e: {  	[tilespmem:$0x4E60] =	vst v0  }
0x16f: {  	v0 =	vld [tilespmem:s11+$0x70];
	_ =	sdelay $0x4  }
0x170: {  	v0 =	vadd.s32 $0x400, v0;
	_ =	sdelay $0x4  }
0x171: {  	v0 =	vld.idx.msk [tilespmem:v0+s1+$0x0], $0xffff;
	_ =	sdelay $0x4  }
0x172: {  	[tilespmem:$0x4E70] =	vst v0  }
0x173: {  	v0 =	vld [tilespmem:s11+$0x80];
	_ =	sdelay $0x4  }
0x174: {  	v0 =	vadd.s32 $0x400, v0;
	_ =	sdelay $0x4  }
0x175: {  	v0 =	vld.idx.msk [tilespmem:v0+s1+$0x0], $0xffff;
	_ =	sdelay $0x4  }
0x176: {  	[tilespmem:$0x4E80] =	vst v0  }
0x177: {  	v0 =	vld [tilespmem:s11+$0x90];
	_ =	sdelay $0x4  }
0x178: {  	v0 =	vadd.s32 $0x400, v0;
	_ =	sdelay $0x4  }
0x179: {  	v0 =	vld.idx.msk [tilespmem:v0+s1+$0x0], $0xffff;
	_ =	sdelay $0x4  }
0x17a: {  	[tilespmem:$0x4E90] =	vst v0  }
0x17b: {  	v0 =	vld [tilespmem:s11+$0xA0];
	_ =	sdelay $0x4  }
0x17c: {  	v0 =	vadd.s32 $0x400, v0;
	_ =	sdelay $0x4  }
0x17d: {  	v0 =	vld.idx.msk [tilespmem:v0+s1+$0x0], $0xffff;
	_ =	sdelay $0x4  }
0x17e: {  	[tilespmem:$0x4EA0] =	vst v0  }
0x17f: {  	v0 =	vld [tilespmem:s11+$0xB0];
	_ =	sdelay $0x4  }
0x180: {  	v0 =	vadd.s32 $0x400, v0;
	_ =	sdelay $0x4  }
0x181: {  	v0 =	vld.idx.msk [tilespmem:v0+s1+$0x0], $0xffff;
	_ =	sdelay $0x4  }
0x182: {  	[tilespmem:$0x4EB0] =	vst v0  }
0x183: {  	v0 =	vld [tilespmem:s11+$0xC0];
	_ =	sdelay $0x4  }
0x184: {  	v0 =	vadd.s32 $0x400, v0;
	_ =	sdelay $0x4  }
0x185: {  	v0 =	vld.idx.msk [tilespmem:v0+s1+$0x0], $0xffff;
	_ =	sdelay $0x4  }
0x186: {  	[tilespmem:$0x4EC0] =	vst v0  }
0x187: {  	v0 =	vld [tilespmem:s11+$0xD0];
	_ =	sdelay $0x4  }
0x188: {  	v0 =	vadd.s32 $0x400, v0;
	_ =	sdelay $0x4  }
0x189: {  	v0 =	vld.idx.msk [tilespmem:v0+s1+$0x0], $0xffff;
	_ =	sdelay $0x4  }
0x18a: {  	[tilespmem:$0x4ED0] =	vst v0  }
0x18b: {  	v0 =	vld [tilespmem:s11+$0xE0];
	_ =	sdelay $0x4  }
0x18c: {  	v0 =	vadd.s32 $0x400, v0;
	_ =	sdelay $0x4  }
0x18d: {  	v0 =	vld.idx.msk [tilespmem:v0+s1+$0x0], $0xffff;
	_ =	sdelay $0x4  }
0x18e: {  	[tilespmem:$0x4EE0] =	vst v0  }
0x18f: {  	v0 =	vld [tilespmem:s11+$0xF0];
	_ =	sdelay $0x4  }
0x190: {  	v0 =	vadd.s32 $0x400, v0;
	_ =	sdelay $0x4  }
0x191: {  	v0 =	vld.idx.msk [tilespmem:v0+s1+$0x0], $0xffff;
	_ =	sdelay $0x4  }
0x192: {  	[tilespmem:$0x4EF0] =	vst v0  }
0x193: {  	v0 =	vld [tilespmem:s11+$0x100];
	_ =	sdelay $0x4  }
0x194: {  	v0 =	vadd.s32 $0x400, v0;
	_ =	sdelay $0x4  }
0x195: {  	v0 =	vld.idx.msk [tilespmem:v0+s1+$0x0], $0xffff;
	_ =	sdelay $0x4  }
0x196: {  	[tilespmem:$0x4F00] =	vst v0  }
0x197: {  	v0 =	vld [tilespmem:s11+$0x110];
	_ =	sdelay $0x4  }
0x198: {  	v0 =	vadd.s32 $0x400, v0;
	_ =	sdelay $0x4  }
0x199: {  	v0 =	vld.idx.msk [tilespmem:v0+s1+$0x0], $0xffff;
	_ =	sdelay $0x4  }
0x19a: {  	[tilespmem:$0x4F10] =	vst v0  }
0x19b: {  	v0 =	vld [tilespmem:s11+$0x120];
	_ =	sdelay $0x4  }
0x19c: {  	v0 =	vadd.s32 $0x400, v0;
	_ =	sdelay $0x4  }
0x19d: {  	v0 =	vld.idx.msk [tilespmem:v0+s1+$0x0], $0xffff;
	_ =	sdelay $0x4  }
0x19e: {  	[tilespmem:$0x4F20] =	vst v0  }
0x19f: {  	v0 =	vld [tilespmem:s11+$0x130];
	_ =	sdelay $0x4  }
0x1a0: {  	v0 =	vadd.s32 $0x400, v0;
	_ =	sdelay $0x4  }
0x1a1: {  	v0 =	vld.idx.msk [tilespmem:v0+s1+$0x0], $0xffff;
	_ =	sdelay $0x4  }
0x1a2: {  	[tilespmem:$0x4F30] =	vst v0  }
0x1a3: {  	v0 =	vld [tilespmem:s11+$0x140];
	_ =	sdelay $0x4  }
0x1a4: {  	v0 =	vadd.s32 $0x400, v0;
	_ =	sdelay $0x4  }
0x1a5: {  	v0 =	vld.idx.msk [tilespmem:v0+s1+$0x0], $0xffff;
	_ =	sdelay $0x4  }
0x1a6: {  	[tilespmem:$0x4F40] =	vst v0  }
0x1a7: {  	v0 =	vld [tilespmem:s11+$0x150];
	_ =	sdelay $0x4  }
0x1a8: {  	v0 =	vadd.s32 $0x400, v0;
	_ =	sdelay $0x4  }
0x1a9: {  	v0 =	vld.idx.msk [tilespmem:v0+s1+$0x0], $0xffff;
	_ =	sdelay $0x4  }
0x1aa: {  	[tilespmem:$0x4F50] =	vst v0  }
0x1ab: {  	v0 =	vld [tilespmem:s11+$0x160];
	_ =	sdelay $0x4  }
0x1ac: {  	v0 =	vadd.s32 $0x400, v0;
	_ =	sdelay $0x4  }
0x1ad: {  	v0 =	vld.idx.msk [tilespmem:v0+s1+$0x0], $0xffff;
	_ =	sdelay $0x4  }
0x1ae: {  	[tilespmem:$0x4F60] =	vst v0  }
0x1af: {  	v0 =	vld [tilespmem:s11+$0x170];
	_ =	sdelay $0x4  }
0x1b0: {  	v0 =	vadd.s32 $0x400, v0;
	_ =	sdelay $0x4  }
0x1b1: {  	v0 =	vld.idx.msk [tilespmem:v0+s1+$0x0], $0xffff;
	_ =	sdelay $0x4  }
0x1b2: {  	[tilespmem:$0x4F70] =	vst v0  }
0x1b3: {  	v0 =	vld [tilespmem:s11+$0x180];
	_ =	sdelay $0x4  }
0x1b4: {  	v0 =	vadd.s32 $0x400, v0;
	_ =	sdelay $0x4  }
0x1b5: {  	v0 =	vld.idx.msk [tilespmem:v0+s1+$0x0], $0xffff;
	_ =	sdelay $0x4  }
0x1b6: {  	[tilespmem:$0x4F80] =	vst v0  }
0x1b7: {  	v0 =	vld [tilespmem:s11+$0x190];
	_ =	sdelay $0x4  }
0x1b8: {  	v0 =	vadd.s32 $0x400, v0;
	_ =	sdelay $0x4  }
0x1b9: {  	v0 =	vld.idx.msk [tilespmem:v0+s1+$0x0], $0xffff;
	_ =	sdelay $0x4  }
0x1ba: {  	[tilespmem:$0x4F90] =	vst v0  }
0x1bb: {  	v0 =	vld [tilespmem:s11+$0x1A0];
	_ =	sdelay $0x4  }
0x1bc: {  	v0 =	vadd.s32 $0x400, v0;
	_ =	sdelay $0x4  }
0x1bd: {  	v0 =	vld.idx.msk [tilespmem:v0+s1+$0x0], $0xffff;
	_ =	sdelay $0x4  }
0x1be: {  	[tilespmem:$0x4FA0] =	vst v0  }
0x1bf: {  	v0 =	vld [tilespmem:s11+$0x1B0];
	_ =	sdelay $0x4  }
0x1c0: {  	v0 =	vadd.s32 $0x400, v0;
	_ =	sdelay $0x4  }
0x1c1: {  	v0 =	vld.idx.msk [tilespmem:v0+s1+$0x0], $0xffff;
	_ =	sdelay $0x4  }
0x1c2: {  	[tilespmem:$0x4FB0] =	vst v0  }
0x1c3: {  	v0 =	vld [tilespmem:s11+$0x1C0];
	_ =	sdelay $0x4  }
0x1c4: {  	v0 =	vadd.s32 $0x400, v0;
	_ =	sdelay $0x4  }
0x1c5: {  	v0 =	vld.idx.msk [tilespmem:v0+s1+$0x0], $0xffff;
	_ =	sdelay $0x4  }
0x1c6: {  	[tilespmem:$0x4FC0] =	vst v0  }
0x1c7: {  	v0 =	vld [tilespmem:s11+$0x1D0];
	_ =	sdelay $0x4  }
0x1c8: {  	v0 =	vadd.s32 $0x400, v0;
	_ =	sdelay $0x4  }
0x1c9: {  	v0 =	vld.idx.msk [tilespmem:v0+s1+$0x0], $0xffff;
	_ =	sdelay $0x4  }
0x1ca: {  	[tilespmem:$0x4FD0] =	vst v0  }
0x1cb: {  	v0 =	vld [tilespmem:s11+$0x1E0];
	_ =	sdelay $0x4  }
0x1cc: {  	v0 =	vadd.s32 $0x400, v0;
	_ =	sdelay $0x4  }
0x1cd: {  	v0 =	vld.idx.msk [tilespmem:v0+s1+$0x0], $0xffff;
	_ =	sdelay $0x4  }
0x1ce: {  	[tilespmem:$0x4FE0] =	vst v0  }
0x1cf: {  	v0 =	vld [tilespmem:s11+$0x1F0];
	_ =	sdelay $0x4  }
0x1d0: {  	v0 =	vadd.s32 $0x400, v0;
	_ =	sdelay $0x4  }
0x1d1: {  	v0 =	vld.idx.msk [tilespmem:v0+s1+$0x0], $0xffff;
	_ =	sdelay $0x3  }
0x1d2: {  	p0 =	sne.s32 s12, $0x1E000  }
.Ltmp0:
0x1d3: {  	s13 =	sadd.s32 s12, s6;
	[tilespmem:$0x4FF0] =	vst v0;
	(pc) =	sbr.rel @p0 .LBB2_2-.Ltmp0, $4  }
0x1d4: {  	[hbm4b:s13+s1] =	stream.linear.scatter [tilespmem:s9], [sflag:$0x1], $0x800, $0x38;
	[tilespmem:$0x5000] =	vst v63  }
0x1d5: {  	_ =	swait.ge [sflag:s7], $0x800  }
0x1d6: {  	[sflag:s7] =	ssyncset.done $0x0  }
0x1d7: {  	s12 =	sadd.s32 $0x2000, s12;
	s11 =	sadd.s32 $0x400, s11;
	[sflag:s7] =	ssyncadd.s32 $0xFFFFF800  }
0x1d8: {  	s10 =	sadd.s32 $0x1, s10  }
0x1d9: {  	p0 =	sne.s32 s10, s5  }
.Ltmp1:
0x1da: {  	_ = 	snop;
	(pc) =	sbr.rel @p0 .LBB2_1-.Ltmp1, $1  }
0x1db: {  	_ =	sdelay $0x3  }
0x1dc: {  	_ =	sfence.sel $0x180000  }
0x1dd: {  	[bflag:$0x0] =	sbarrier.arrive $0xFFFF  }
0x1de: {  	p0 =	sne.s32 s2, $0x0;
	_ =	strace $0x90000047  }
0x1df: {  	s0 =	sadd.s32 @!p0 $0x100000, s0;
	[bflag:$0x2] =	sbarrier.arrive $0xFFFF  }
0x1e0: {  	[sflag:s0] =	ssyncadd.tile.s32 @!p0 $0x1;
	_ =	shalt  }
.Lfunc_end2:
_tile_overlayer_lowered:
.L_overlay_start_2:
0x1e1: {  	(tag) =	ssettag $0x2  }
0x1e2: {  	s0 =	rddreg [dreg:$0x0];
	s2 =	stileid.u32  }
0x1e3: {  	s1 =	rddreg [dreg:$0x1];
	p0 =	sne.s32 s2, $0x0  }
0x1e4: {  	s3 =	rddreg [dreg:$0x2];
	[bflag:$0x3] =	sbarrier.arrive $0xFFFF;
	s2 =	simm.s32 @!p0 $0x1C01  }
0x1e5: {  	[timem:s3], [sflag:s2] =	dma.local @!p0 [hbm:s0], s1  }
0x1e6: {  	s0 =	simm.s32 @!p0 $0x1  }
0x1e7: {  	_ =	swait.ge @!p0 [sflag:s0], s1  }
0x1e8: {  	s1 =	ssub.s32 @!p0 $0x0, s1;
	[sflag:s0] =	ssyncset.done @!p0 $0x0  }
0x1e9: {  	[sflag:s0] =	ssyncadd.s32 @!p0 s1  }
0x1ea: {  	[bflag:$0x3] =	sbarrier.arrive $0xFFFF  }
0x1eb: {  	_ =	shalt  }

</sc_bundles>
